<compile_context>
chip_gen: v7x
topology: tpu7x:2x2x1
jax: 0.10.2.dev20260603
libtpu: 0.0.44.dev20260713+nightly
codegen_flags: <defaults>
</compile_context>

<pallas_src>
import functools

import jax
import jax.numpy as jnp
from jax import lax
from jax.experimental import pallas as pl
from jax.experimental.pallas import tpu as pltpu
from jax.experimental.pallas import tpu_sc as plsc

_B, _T, _K, _D = 64, 4096, 512, 8
_NC, _NS, _L = 2, 16, 16
_NW = _NC * _NS
_BPW = _B // _NW
_CHUNKS = 4


def _nn_body(wt_ref, nn_ref):
    wt = wt_ref[...]
    w2_row = jnp.sum(wt * wt, axis=0, keepdims=True)
    g = lax.dot_general(wt, wt, (((0,), (0,)), ((), ())),
                        preferred_element_type=jnp.float32)
    e = w2_row - 2.0 * g
    mn = jnp.min(e, axis=1, keepdims=True)
    col = lax.broadcasted_iota(jnp.int32, (_K, _K), 1)
    nn = jnp.min(jnp.where(e == mn, col, _K), axis=1)
    nn_ref[...] = nn


_nn_call = pl.pallas_call(
    _nn_body,
    out_shape=jax.ShapeDtypeStruct((_K,), jnp.int32),
)


_sc_mesh = plsc.VectorSubcoreMesh(core_axis_name="c", subcore_axis_name="s")


@functools.partial(
    pl.kernel,
    mesh=_sc_mesh,
    compiler_params=pltpu.CompilerParams(needs_layout_passes=False,
                                         disable_bounds_checks=True,
                                         skip_device_barrier=True),
    out_type=[
        jax.ShapeDtypeStruct((_B, _D, _T), jnp.float32),
        jax.ShapeDtypeStruct((_B, _T), jnp.int32),
    ],
    scratch_types=[
        pltpu.VMEM((32, 128), jnp.float32),
        pltpu.VMEM((_K * 9,), jnp.float32),
        pltpu.VMEM((_K,), jnp.int32),
        pltpu.VMEM((_BPW, _T), jnp.int32),
        pltpu.VMEM((_BPW, _D, _T), jnp.float32),
        pltpu.VMEM((_BPW, _T), jnp.int32),
        pltpu.SemaphoreType.DMA,
        pltpu.SemaphoreType.DMA,
        pltpu.SemaphoreType.DMA,
        pltpu.SemaphoreType.DMA,
    ],
)
def _sc_gather(w_hbm, nn_hbm, codes_hbm, lat_hbm, ch_hbm,
               w_v, wp_v, nn_v, codes_v, lat_v, ch_v, sem_w, sem_c0, sem_c1, sem_o):
    wid = lax.axis_index("s") * _NC + lax.axis_index("c")
    b0 = wid * _BPW
    w_cp = pltpu.async_copy(w_hbm, w_v, sem_w)
    nn_cp = pltpu.async_copy(nn_hbm, nn_v, sem_w)
    sems = [sem_c0, sem_c1]
    in_cps = [pltpu.async_copy(codes_hbm.at[b0 + i], codes_v.at[i], sems[i])
              for i in range(_BPW)]
    w_cp.wait()
    nn_cp.wait()

    pat = 9 * lax.iota(jnp.int32, _L)

    @plsc.parallel_loop(0, _K * _D // _L, step=1, unroll=8)
    def repack(c):
        vals = w_v[c >> 3, pl.ds((c & 7) * _L, _L)]
        plsc.store_scatter(wp_v, [pat + (144 * (c & 31) + (c >> 5))], vals)

    out_cps = []
    for i in range(_BPW):
        in_cps[i].wait()

        @plsc.parallel_loop(0, _T, step=_L, unroll=8)
        def step(t):
            idx = codes_v[i, pl.ds(t, _L)]
            ch_v[i, pl.ds(t, _L)] = plsc.load_gather(nn_v, [idx])
            base = idx * 9
            for d in range(_D):
                lat_v[i, d, pl.ds(t, _L)] = plsc.load_gather(wp_v, [base + d])

        out_cps.append(pltpu.async_copy(lat_v.at[i], lat_hbm.at[b0 + i], sem_o))
        out_cps.append(pltpu.async_copy(ch_v.at[i], ch_hbm.at[b0 + i], sem_o))
    for cp in out_cps:
        cp.wait()


def kernel(codes, code_embed_weight):
    codes = codes.astype(jnp.int32)
    w = code_embed_weight.astype(jnp.float32)
    wt = w.T
    nn = _nn_call(wt)
    latents, codes_hat = _sc_gather(wt.reshape(32, 128), nn, codes)
    return latents, codes_hat

# --- scband reference (transcript-rebuilt; emitter-appended) ---
"""Pipeline reference for scband-encodec-wrapper-23759759081966 (READ-ONLY COPY).

The authoritative reference and input builder live on the scoring server;
editing this copy changes nothing except your own understanding.
"""

import jax, jax.numpy as jnp
import numpy as np

B, T, K, D = 64, 4096, 512, 8

def setup_inputs(seed: int = 0) -> dict:
    key = jax.random.key(seed)
    k1, k2 = jax.random.split(key)
    codes = jax.random.randint(k1, (B, T), 0, K, dtype=jnp.int64) if jax.config.read('jax_enable_x64') else jax.random.randint(k1, (B, T), 0, K, dtype=jnp.int32)
    code_embed_weight = jax.random.normal(k2, (K, D), dtype=jnp.float32)
    return {"codes": codes, "code_embed_weight": code_embed_weight}

def reference(codes, code_embed_weight):
    # --- encode path (post-codec): embedding lookup of first codebook's codes ---
    # latents = self.code_embed(codes[..., 0]); permute(0, 2, 1)
    lat_btd = jnp.take(code_embed_weight, codes, axis=0)          # (B, T, D)
    latents = jnp.transpose(lat_btd, (0, 2, 1))                   # (B, D, T)
    # --- decode path: nearest code via cdist(latents, code_embed.weight).argmin(-1) ---
    x = jnp.transpose(latents, (0, 2, 1)).astype(jnp.float32)     # (B, T, D)
    w = code_embed_weight.astype(jnp.float32)                     # (K, D)
    x2 = jnp.sum(x * x, axis=-1, keepdims=True)                   # (B, T, 1)
    w2 = jnp.sum(w * w, axis=-1)                                  # (K,)
    xw = jnp.einsum('btd,kd->btk', x, w)                          # (B, T, K)
    d2 = jnp.maximum(x2 - 2.0 * xw + w2[None, None, :], 0.0)
    dist = jnp.sqrt(d2)                                           # cdist (euclidean)
    codes_hat = jnp.argmin(dist, axis=-1)                         # (B, T)
    return latents, codes_hat

if __name__ == "__main__":
    import jax
    _d = setup_inputs()
    print(jax.jit(kernel)(*tuple(_d.values())))

</pallas_src>

<mosaic_0001>
#map = affine_map<(d0, d1) -> (0, 0)>
#map1 = affine_map<(d0, d1) -> (0)>
#map2 = affine_map<(d0, d1) -> (0, 0, 0)>
module attributes {stable_mosaic.version = 14 : i64} {
  func.func @_sc_gather(%arg0: i32, %arg1: i32, %arg2: memref<32x128xf32, #tpu.memory_space<hbm>>, %arg3: memref<512xi32, #tpu.memory_space<hbm>>, %arg4: memref<64x4096xi32, #tpu.memory_space<hbm>>, %arg5: memref<64x8x4096xf32, #tpu.memory_space<hbm>>, %arg6: memref<64x4096xi32, #tpu.memory_space<hbm>>, %arg7: memref<32x128xf32, #tpu.memory_space<vmem>>, %arg8: memref<4608xf32, #tpu.memory_space<vmem>>, %arg9: memref<512xi32, #tpu.memory_space<vmem>>, %arg10: memref<2x4096xi32, #tpu.memory_space<vmem>>, %arg11: memref<2x8x4096xf32, #tpu.memory_space<vmem>>, %arg12: memref<2x4096xi32, #tpu.memory_space<vmem>>, %arg13: memref<!tpu.dma_semaphore, #tpu.memory_space<semaphore_mem>>, %arg14: memref<!tpu.dma_semaphore, #tpu.memory_space<semaphore_mem>>, %arg15: memref<!tpu.dma_semaphore, #tpu.memory_space<semaphore_mem>>, %arg16: memref<!tpu.dma_semaphore, #tpu.memory_space<semaphore_mem>>) attributes {dimension_semantics = [#tpu.dimension_semantics<core_parallel>, #tpu.dimension_semantics<subcore_parallel>], iteration_bounds = array<i64: 2, 16>, scalar_prefetch = 0 : i64, scratch_operands = 10 : i64, tpu.core_type = #tpu.core_type<sc_vector_subcore>, window_params = [{transform_indices = #map}, {transform_indices = #map1}, {transform_indices = #map}, {transform_indices = #map2}, {transform_indices = #map}]} {
    %mul3A = arith.constant 2 : i32
    %mul3A_0 = arith.muli %arg1, %mul3A : i32
    %add3A = arith.addi %mul3A_0, %arg0 : i32
    %mul3A_1 = arith.constant 2 : i32
    %mul3A_2 = arith.muli %add3A, %mul3A_1 : i32
    tpu.enqueue_dma source(%arg2 : memref<32x128xf32, #tpu.memory_space<hbm>>) target(%arg7 : memref<32x128xf32, #tpu.memory_space<vmem>>) target_semaphore(%arg13 : memref<!tpu.dma_semaphore, #tpu.memory_space<semaphore_mem>>)
    tpu.enqueue_dma source(%arg3 : memref<512xi32, #tpu.memory_space<hbm>>) target(%arg9 : memref<512xi32, #tpu.memory_space<vmem>>) target_semaphore(%arg13 : memref<!tpu.dma_semaphore, #tpu.memory_space<semaphore_mem>>)
    %add3A_3 = arith.constant 0 : i32
    %add3A_4 = arith.addi %mul3A_2, %add3A_3 : i32
    %dma_start3A = arith.constant 0 : i32
    %dma_start3A_5 = arith.constant 0 : i32
    %dma_start3A_6 = tpu.memref_slice %arg10[%dma_start3A, %dma_start3A_5] : memref<2x4096xi32, #tpu.memory_space<vmem>> -> memref<1x4096xi32, #tpu.memory_space<vmem>>
    %dma_start3A_7 = tpu.memref_squeeze %dma_start3A_6 : memref<1x4096xi32, #tpu.memory_space<vmem>> -> memref<4096xi32, #tpu.memory_space<vmem>>
    %dma_start3A_8 = arith.constant 0 : i32
    %dma_start3A_9 = tpu.memref_slice %arg4[%add3A_4, %dma_start3A_8] : memref<64x4096xi32, #tpu.memory_space<hbm>> -> memref<1x4096xi32, #tpu.memory_space<hbm>>
    %dma_start3A_10 = tpu.memref_squeeze %dma_start3A_9 : memref<1x4096xi32, #tpu.memory_space<hbm>> -> memref<4096xi32, #tpu.memory_space<hbm>>
    %dma_start3A_11 = arith.constant 0 : i32
    %dma_start3A_12 = tpu.memref_slice %arg10[%dma_start3A, %dma_start3A_11] : memref<2x4096xi32, #tpu.memory_space<vmem>> -> memref<1x4096xi32, #tpu.memory_space<vmem>>
    %dma_start3A_13 = tpu.memref_squeeze %dma_start3A_12 : memref<1x4096xi32, #tpu.memory_space<vmem>> -> memref<4096xi32, #tpu.memory_space<vmem>>
    %dma_start3A_14 = arith.constant 0 : i32
    %dma_start3A_15 = tpu.memref_slice %arg4[%add3A_4, %dma_start3A_14] : memref<64x4096xi32, #tpu.memory_space<hbm>> -> memref<1x4096xi32, #tpu.memory_space<hbm>>
    %dma_start3A_16 = tpu.memref_squeeze %dma_start3A_15 : memref<1x4096xi32, #tpu.memory_space<hbm>> -> memref<4096xi32, #tpu.memory_space<hbm>>
    tpu.enqueue_dma source(%dma_start3A_16 : memref<4096xi32, #tpu.memory_space<hbm>>) target(%dma_start3A_13 : memref<4096xi32, #tpu.memory_space<vmem>>) target_semaphore(%arg14 : memref<!tpu.dma_semaphore, #tpu.memory_space<semaphore_mem>>)
    %add3A_17 = arith.constant 1 : i32
    %add3A_18 = arith.addi %mul3A_2, %add3A_17 : i32
    %dma_start3A_19 = arith.constant 1 : i32
    %dma_start3A_20 = arith.constant 0 : i32
    %dma_start3A_21 = tpu.memref_slice %arg10[%dma_start3A_19, %dma_start3A_20] : memref<2x4096xi32, #tpu.memory_space<vmem>> -> memref<1x4096xi32, #tpu.memory_space<vmem>>
    %dma_start3A_22 = tpu.memref_squeeze %dma_start3A_21 : memref<1x4096xi32, #tpu.memory_space<vmem>> -> memref<4096xi32, #tpu.memory_space<vmem>>
    %dma_start3A_23 = arith.constant 0 : i32
    %dma_start3A_24 = tpu.memref_slice %arg4[%add3A_18, %dma_start3A_23] : memref<64x4096xi32, #tpu.memory_space<hbm>> -> memref<1x4096xi32, #tpu.memory_space<hbm>>
    %dma_start3A_25 = tpu.memref_squeeze %dma_start3A_24 : memref<1x4096xi32, #tpu.memory_space<hbm>> -> memref<4096xi32, #tpu.memory_space<hbm>>
    %dma_start3A_26 = arith.constant 0 : i32
    %dma_start3A_27 = tpu.memref_slice %arg10[%dma_start3A_19, %dma_start3A_26] : memref<2x4096xi32, #tpu.memory_space<vmem>> -> memref<1x4096xi32, #tpu.memory_space<vmem>>
    %dma_start3A_28 = tpu.memref_squeeze %dma_start3A_27 : memref<1x4096xi32, #tpu.memory_space<vmem>> -> memref<4096xi32, #tpu.memory_space<vmem>>
    %dma_start3A_29 = arith.constant 0 : i32
    %dma_start3A_30 = tpu.memref_slice %arg4[%add3A_18, %dma_start3A_29] : memref<64x4096xi32, #tpu.memory_space<hbm>> -> memref<1x4096xi32, #tpu.memory_space<hbm>>
    %dma_start3A_31 = tpu.memref_squeeze %dma_start3A_30 : memref<1x4096xi32, #tpu.memory_space<hbm>> -> memref<4096xi32, #tpu.memory_space<hbm>>
    tpu.enqueue_dma source(%dma_start3A_31 : memref<4096xi32, #tpu.memory_space<hbm>>) target(%dma_start3A_28 : memref<4096xi32, #tpu.memory_space<vmem>>) target_semaphore(%arg15 : memref<!tpu.dma_semaphore, #tpu.memory_space<semaphore_mem>>)
    tpu.wait_dma2 semaphore(%arg13 : memref<!tpu.dma_semaphore, #tpu.memory_space<semaphore_mem>>) src(%arg2 : memref<32x128xf32, #tpu.memory_space<hbm>>) dst(%arg7 : memref<32x128xf32, #tpu.memory_space<vmem>>)
    tpu.wait_dma2 semaphore(%arg13 : memref<!tpu.dma_semaphore, #tpu.memory_space<semaphore_mem>>) src(%arg3 : memref<512xi32, #tpu.memory_space<hbm>>) dst(%arg9 : memref<512xi32, #tpu.memory_space<vmem>>)
    %iota3A = tpu.iota {dimensions = array<i32: 0>} : vector<16xi32>
    %mul3A_32 = arith.constant 9 : i32
    %mul3A_33 = vector.broadcast %mul3A_32 : i32 to vector<16xi32>
    %mul3A_34 = arith.muli %mul3A_33, %iota3A : vector<16xi32>
    %parallel_loop3A = arith.constant 0 : i32
    %parallel_loop3A_35 = arith.constant 256 : i32
    %parallel_loop3A_36 = arith.constant 1 : i32
    scf.for %parallel_loop3A_196 = %parallel_loop3A to %parallel_loop3A_35 step %parallel_loop3A_36  : i32 {
      %parallel_loop3A_197 = arith.constant 3 : i32
      %parallel_loop3A_198 = arith.shrsi %parallel_loop3A_196, %parallel_loop3A_197 : i32
      %parallel_loop3A_199 = arith.constant 7 : i32
      %parallel_loop3A_200 = arith.andi %parallel_loop3A_196, %parallel_loop3A_199 : i32
      %parallel_loop3A_201 = arith.constant 16 : i32
      %parallel_loop3A_202 = arith.muli %parallel_loop3A_200, %parallel_loop3A_201 : i32
      %parallel_loop3A_203 = arith.index_cast %parallel_loop3A_198 : i32 to index
      %parallel_loop3A_204 = arith.index_cast %parallel_loop3A_202 : i32 to index
      %parallel_loop3A_205 = tpu.vector_load %arg7[%parallel_loop3A_203, %parallel_loop3A_204] {strides = array<i32>} : memref<32x128xf32, #tpu.memory_space<vmem>>, vector<16xf32>,
      %parallel_loop3A_206 = arith.constant 31 : i32
      %parallel_loop3A_207 = arith.andi %parallel_loop3A_196, %parallel_loop3A_206 : i32
      %parallel_loop3A_208 = arith.constant 144 : i32
      %parallel_loop3A_209 = arith.muli %parallel_loop3A_208, %parallel_loop3A_207 : i32
      %parallel_loop3A_210 = arith.constant 5 : i32
      %parallel_loop3A_211 = arith.shrsi %parallel_loop3A_196, %parallel_loop3A_210 : i32
      %parallel_loop3A_212 = arith.addi %parallel_loop3A_209, %parallel_loop3A_211 : i32
      %parallel_loop3A_213 = vector.broadcast %parallel_loop3A_212 : i32 to vector<16xi32>
      %parallel_loop3A_214 = arith.addi %mul3A_34, %parallel_loop3A_213 : vector<16xi32>
      tpu.vector_store_idx %arg8[%parallel_loop3A_214], %parallel_loop3A_205 : memref<4608xf32, #tpu.memory_space<vmem>>[vector<16xi32>], vector<16xf32>,
    } {sc.loop_unroll_factor = 8 : i64, sc.parallel_access}
    %dma_wait3A = arith.constant 0 : i32
    %dma_wait3A_37 = arith.constant 0 : i32
    %dma_wait3A_38 = tpu.memref_slice %arg10[%dma_wait3A, %dma_wait3A_37] : memref<2x4096xi32, #tpu.memory_space<vmem>> -> memref<1x4096xi32, #tpu.memory_space<vmem>>
    %dma_wait3A_39 = tpu.memref_squeeze %dma_wait3A_38 : memref<1x4096xi32, #tpu.memory_space<vmem>> -> memref<4096xi32, #tpu.memory_space<vmem>>
    %dma_wait3A_40 = arith.constant 0 : i32
    %dma_wait3A_41 = tpu.memref_slice %arg4[%add3A_4, %dma_wait3A_40] : memref<64x4096xi32, #tpu.memory_space<hbm>> -> memref<1x4096xi32, #tpu.memory_space<hbm>>
    %dma_wait3A_42 = tpu.memref_squeeze %dma_wait3A_41 : memref<1x4096xi32, #tpu.memory_space<hbm>> -> memref<4096xi32, #tpu.memory_space<hbm>>
    %dma_wait3A_43 = arith.constant 0 : i32
    %dma_wait3A_44 = tpu.memref_slice %arg10[%dma_wait3A, %dma_wait3A_43] : memref<2x4096xi32, #tpu.memory_space<vmem>> -> memref<1x4096xi32, #tpu.memory_space<vmem>>
    %dma_wait3A_45 = tpu.memref_squeeze %dma_wait3A_44 : memref<1x4096xi32, #tpu.memory_space<vmem>> -> memref<4096xi32, #tpu.memory_space<vmem>>
    %dma_wait3A_46 = arith.constant 0 : i32
    %dma_wait3A_47 = tpu.memref_slice %arg4[%add3A_4, %dma_wait3A_46] : memref<64x4096xi32, #tpu.memory_space<hbm>> -> memref<1x4096xi32, #tpu.memory_space<hbm>>
    %dma_wait3A_48 = tpu.memref_squeeze %dma_wait3A_47 : memref<1x4096xi32, #tpu.memory_space<hbm>> -> memref<4096xi32, #tpu.memory_space<hbm>>
    tpu.wait_dma2 semaphore(%arg14 : memref<!tpu.dma_semaphore, #tpu.memory_space<semaphore_mem>>) src(%dma_wait3A_48 : memref<4096xi32, #tpu.memory_space<hbm>>) dst(%dma_wait3A_45 : memref<4096xi32, #tpu.memory_space<vmem>>)
    %parallel_loop3A_49 = arith.constant 0 : i32
    %parallel_loop3A_50 = arith.constant 4096 : i32
    %parallel_loop3A_51 = arith.constant 16 : i32
    scf.for %parallel_loop3A_196 = %parallel_loop3A_49 to %parallel_loop3A_50 step %parallel_loop3A_51  : i32 {
      %parallel_loop3A_197 = arith.constant 0 : i32
      %parallel_loop3A_198 = arith.index_cast %parallel_loop3A_197 : i32 to index
      %parallel_loop3A_199 = arith.index_cast %parallel_loop3A_196 : i32 to index
      %parallel_loop3A_200 = tpu.vector_load %arg10[%parallel_loop3A_198, %parallel_loop3A_199] {strides = array<i32>} : memref<2x4096xi32, #tpu.memory_space<vmem>>, vector<16xi32>,
      %parallel_loop3A_201 = tpu.vector_load_idx %arg9[%parallel_loop3A_200] : memref<512xi32, #tpu.memory_space<vmem>>[vector<16xi32>], vector<16xi32>,
      %parallel_loop3A_202 = arith.constant 0 : i32
      %parallel_loop3A_203 = arith.index_cast %parallel_loop3A_202 : i32 to index
      %parallel_loop3A_204 = arith.index_cast %parallel_loop3A_196 : i32 to index
      %parallel_loop3A_205 = tpu.vector_load %arg12[%parallel_loop3A_203, %parallel_loop3A_204] {strides = array<i32>} : memref<2x4096xi32, #tpu.memory_space<vmem>>, vector<16xi32>,
      tpu.vector_store %arg12[%parallel_loop3A_203, %parallel_loop3A_204], %parallel_loop3A_201 {strides = array<i32>} : memref<2x4096xi32, #tpu.memory_space<vmem>>, vector<16xi32>,
      %parallel_loop3A_206 = arith.constant 9 : i32
      %parallel_loop3A_207 = vector.broadcast %parallel_loop3A_206 : i32 to vector<16xi32>
      %parallel_loop3A_208 = arith.muli %parallel_loop3A_200, %parallel_loop3A_207 : vector<16xi32>
      %parallel_loop3A_209 = arith.constant 0 : i32
      %parallel_loop3A_210 = vector.broadcast %parallel_loop3A_209 : i32 to vector<16xi32>
      %parallel_loop3A_211 = arith.addi %parallel_loop3A_208, %parallel_loop3A_210 : vector<16xi32>
      %parallel_loop3A_212 = tpu.vector_load_idx %arg8[%parallel_loop3A_211] : memref<4608xf32, #tpu.memory_space<vmem>>[vector<16xi32>], vector<16xf32>,
      %parallel_loop3A_213 = arith.constant 0 : i32
      %parallel_loop3A_214 = arith.constant 0 : i32
      %parallel_loop3A_215 = arith.index_cast %parallel_loop3A_213 : i32 to index
      %parallel_loop3A_216 = arith.index_cast %parallel_loop3A_214 : i32 to index
      %parallel_loop3A_217 = arith.index_cast %parallel_loop3A_196 : i32 to index
      %parallel_loop3A_218 = tpu.vector_load %arg11[%parallel_loop3A_215, %parallel_loop3A_216, %parallel_loop3A_217] {strides = array<i32>} : memref<2x8x4096xf32, #tpu.memory_space<vmem>>, vector<16xf32>,
      tpu.vector_store %arg11[%parallel_loop3A_215, %parallel_loop3A_216, %parallel_loop3A_217], %parallel_loop3A_212 {strides = array<i32>} : memref<2x8x4096xf32, #tpu.memory_space<vmem>>, vector<16xf32>,
      %parallel_loop3A_219 = arith.constant 1 : i32
      %parallel_loop3A_220 = vector.broadcast %parallel_loop3A_219 : i32 to vector<16xi32>
      %parallel_loop3A_221 = arith.addi %parallel_loop3A_208, %parallel_loop3A_220 : vector<16xi32>
      %parallel_loop3A_222 = tpu.vector_load_idx %arg8[%parallel_loop3A_221] : memref<4608xf32, #tpu.memory_space<vmem>>[vector<16xi32>], vector<16xf32>,
      %parallel_loop3A_223 = arith.constant 0 : i32
      %parallel_loop3A_224 = arith.constant 1 : i32
      %parallel_loop3A_225 = arith.index_cast %parallel_loop3A_223 : i32 to index
      %parallel_loop3A_226 = arith.index_cast %parallel_loop3A_224 : i32 to index
      %parallel_loop3A_227 = arith.index_cast %parallel_loop3A_196 : i32 to index
      %parallel_loop3A_228 = tpu.vector_load %arg11[%parallel_loop3A_225, %parallel_loop3A_226, %parallel_loop3A_227] {strides = array<i32>} : memref<2x8x4096xf32, #tpu.memory_space<vmem>>, vector<16xf32>,
      tpu.vector_store %arg11[%parallel_loop3A_225, %parallel_loop3A_226, %parallel_loop3A_227], %parallel_loop3A_222 {strides = array<i32>} : memref<2x8x4096xf32, #tpu.memory_space<vmem>>, vector<16xf32>,
      %parallel_loop3A_229 = arith.constant 2 : i32
      %parallel_loop3A_230 = vector.broadcast %parallel_loop3A_229 : i32 to vector<16xi32>
      %parallel_loop3A_231 = arith.addi %parallel_loop3A_208, %parallel_loop3A_230 : vector<16xi32>
      %parallel_loop3A_232 = tpu.vector_load_idx %arg8[%parallel_loop3A_231] : memref<4608xf32, #tpu.memory_space<vmem>>[vector<16xi32>], vector<16xf32>,
      %parallel_loop3A_233 = arith.constant 0 : i32
      %parallel_loop3A_234 = arith.constant 2 : i32
      %parallel_loop3A_235 = arith.index_cast %parallel_loop3A_233 : i32 to index
      %parallel_loop3A_236 = arith.index_cast %parallel_loop3A_234 : i32 to index
      %parallel_loop3A_237 = arith.index_cast %parallel_loop3A_196 : i32 to index
      %parallel_loop3A_238 = tpu.vector_load %arg11[%parallel_loop3A_235, %parallel_loop3A_236, %parallel_loop3A_237] {strides = array<i32>} : memref<2x8x4096xf32, #tpu.memory_space<vmem>>, vector<16xf32>,
      tpu.vector_store %arg11[%parallel_loop3A_235, %parallel_loop3A_236, %parallel_loop3A_237], %parallel_loop3A_232 {strides = array<i32>} : memref<2x8x4096xf32, #tpu.memory_space<vmem>>, vector<16xf32>,
      %parallel_loop3A_239 = arith.constant 3 : i32
      %parallel_loop3A_240 = vector.broadcast %parallel_loop3A_239 : i32 to vector<16xi32>
      %parallel_loop3A_241 = arith.addi %parallel_loop3A_208, %parallel_loop3A_240 : vector<16xi32>
      %parallel_loop3A_242 = tpu.vector_load_idx %arg8[%parallel_loop3A_241] : memref<4608xf32, #tpu.memory_space<vmem>>[vector<16xi32>], vector<16xf32>,
      %parallel_loop3A_243 = arith.constant 0 : i32
      %parallel_loop3A_244 = arith.constant 3 : i32
      %parallel_loop3A_245 = arith.index_cast %parallel_loop3A_243 : i32 to index
      %parallel_loop3A_246 = arith.index_cast %parallel_loop3A_244 : i32 to index
      %parallel_loop3A_247 = arith.index_cast %parallel_loop3A_196 : i32 to index
      %parallel_loop3A_248 = tpu.vector_load %arg11[%parallel_loop3A_245, %parallel_loop3A_246, %parallel_loop3A_247] {strides = array<i32>} : memref<2x8x4096xf32, #tpu.memory_space<vmem>>, vector<16xf32>,
      tpu.vector_store %arg11[%parallel_loop3A_245, %parallel_loop3A_246, %parallel_loop3A_247], %parallel_loop3A_242 {strides = array<i32>} : memref<2x8x4096xf32, #tpu.memory_space<vmem>>, vector<16xf32>,
      %parallel_loop3A_249 = arith.constant 4 : i32
      %parallel_loop3A_250 = vector.broadcast %parallel_loop3A_249 : i32 to vector<16xi32>
      %parallel_loop3A_251 = arith.addi %parallel_loop3A_208, %parallel_loop3A_250 : vector<16xi32>
      %parallel_loop3A_252 = tpu.vector_load_idx %arg8[%parallel_loop3A_251] : memref<4608xf32, #tpu.memory_space<vmem>>[vector<16xi32>], vector<16xf32>,
      %parallel_loop3A_253 = arith.constant 0 : i32
      %parallel_loop3A_254 = arith.constant 4 : i32
      %parallel_loop3A_255 = arith.index_cast %parallel_loop3A_253 : i32 to index
      %parallel_loop3A_256 = arith.index_cast %parallel_loop3A_254 : i32 to index
      %parallel_loop3A_257 = arith.index_cast %parallel_loop3A_196 : i32 to index
      %parallel_loop3A_258 = tpu.vector_load %arg11[%parallel_loop3A_255, %parallel_loop3A_256, %parallel_loop3A_257] {strides = array<i32>} : memref<2x8x4096xf32, #tpu.memory_space<vmem>>, vector<16xf32>,
      tpu.vector_store %arg11[%parallel_loop3A_255, %parallel_loop3A_256, %parallel_loop3A_257], %parallel_loop3A_252 {strides = array<i32>} : memref<2x8x4096xf32, #tpu.memory_space<vmem>>, vector<16xf32>,
      %parallel_loop3A_259 = arith.constant 5 : i32
      %parallel_loop3A_260 = vector.broadcast %parallel_loop3A_259 : i32 to vector<16xi32>
      %parallel_loop3A_261 = arith.addi %parallel_loop3A_208, %parallel_loop3A_260 : vector<16xi32>
      %parallel_loop3A_262 = tpu.vector_load_idx %arg8[%parallel_loop3A_261] : memref<4608xf32, #tpu.memory_space<vmem>>[vector<16xi32>], vector<16xf32>,
      %parallel_loop3A_263 = arith.constant 0 : i32
      %parallel_loop3A_264 = arith.constant 5 : i32
      %parallel_loop3A_265 = arith.index_cast %parallel_loop3A_263 : i32 to index
      %parallel_loop3A_266 = arith.index_cast %parallel_loop3A_264 : i32 to index
      %parallel_loop3A_267 = arith.index_cast %parallel_loop3A_196 : i32 to index
      %parallel_loop3A_268 = tpu.vector_load %arg11[%parallel_loop3A_265, %parallel_loop3A_266, %parallel_loop3A_267] {strides = array<i32>} : memref<2x8x4096xf32, #tpu.memory_space<vmem>>, vector<16xf32>,
      tpu.vector_store %arg11[%parallel_loop3A_265, %parallel_loop3A_266, %parallel_loop3A_267], %parallel_loop3A_262 {strides = array<i32>} : memref<2x8x4096xf32, #tpu.memory_space<vmem>>, vector<16xf32>,
      %parallel_loop3A_269 = arith.constant 6 : i32
      %parallel_loop3A_270 = vector.broadcast %parallel_loop3A_269 : i32 to vector<16xi32>
      %parallel_loop3A_271 = arith.addi %parallel_loop3A_208, %parallel_loop3A_270 : vector<16xi32>
      %parallel_loop3A_272 = tpu.vector_load_idx %arg8[%parallel_loop3A_271] : memref<4608xf32, #tpu.memory_space<vmem>>[vector<16xi32>], vector<16xf32>,
      %parallel_loop3A_273 = arith.constant 0 : i32
      %parallel_loop3A_274 = arith.constant 6 : i32
      %parallel_loop3A_275 = arith.index_cast %parallel_loop3A_273 : i32 to index
      %parallel_loop3A_276 = arith.index_cast %parallel_loop3A_274 : i32 to index
      %parallel_loop3A_277 = arith.index_cast %parallel_loop3A_196 : i32 to index
      %parallel_loop3A_278 = tpu.vector_load %arg11[%parallel_loop3A_275, %parallel_loop3A_276, %parallel_loop3A_277] {strides = array<i32>} : memref<2x8x4096xf32, #tpu.memory_space<vmem>>, vector<16xf32>,
      tpu.vector_store %arg11[%parallel_loop3A_275, %parallel_loop3A_276, %parallel_loop3A_277], %parallel_loop3A_272 {strides = array<i32>} : memref<2x8x4096xf32, #tpu.memory_space<vmem>>, vector<16xf32>,
      %parallel_loop3A_279 = arith.constant 7 : i32
      %parallel_loop3A_280 = vector.broadcast %parallel_loop3A_279 : i32 to vector<16xi32>
      %parallel_loop3A_281 = arith.addi %parallel_loop3A_208, %parallel_loop3A_280 : vector<16xi32>
      %parallel_loop3A_282 = tpu.vector_load_idx %arg8[%parallel_loop3A_281] : memref<4608xf32, #tpu.memory_space<vmem>>[vector<16xi32>], vector<16xf32>,
      %parallel_loop3A_283 = arith.constant 0 : i32
      %parallel_loop3A_284 = arith.constant 7 : i32
      %parallel_loop3A_285 = arith.index_cast %parallel_loop3A_283 : i32 to index
      %parallel_loop3A_286 = arith.index_cast %parallel_loop3A_284 : i32 to index
      %parallel_loop3A_287 = arith.index_cast %parallel_loop3A_196 : i32 to index
      %parallel_loop3A_288 = tpu.vector_load %arg11[%parallel_loop3A_285, %parallel_loop3A_286, %parallel_loop3A_287] {strides = array<i32>} : memref<2x8x4096xf32, #tpu.memory_space<vmem>>, vector<16xf32>,
      tpu.vector_store %arg11[%parallel_loop3A_285, %parallel_loop3A_286, %parallel_loop3A_287], %parallel_loop3A_282 {strides = array<i32>} : memref<2x8x4096xf32, #tpu.memory_space<vmem>>, vector<16xf32>,
    } {sc.loop_unroll_factor = 8 : i64, sc.parallel_access}
    %add3A_52 = arith.constant 0 : i32
    %add3A_53 = arith.addi %mul3A_2, %add3A_52 : i32
    %dma_start3A_54 = arith.constant 0 : i32
    %dma_start3A_55 = arith.constant 0 : i32
    %dma_start3A_56 = arith.constant 0 : i32
    %dma_start3A_57 = tpu.memref_slice %arg11[%dma_start3A_54, %dma_start3A_55, %dma_start3A_56] : memref<2x8x4096xf32, #tpu.memory_space<vmem>> -> memref<1x8x4096xf32, #tpu.memory_space<vmem>>
    %dma_start3A_58 = tpu.memref_squeeze %dma_start3A_57 : memref<1x8x4096xf32, #tpu.memory_space<vmem>> -> memref<8x4096xf32, #tpu.memory_space<vmem>>
    %dma_start3A_59 = arith.constant 0 : i32
    %dma_start3A_60 = arith.constant 0 : i32
    %dma_start3A_61 = tpu.memref_slice %arg5[%add3A_53, %dma_start3A_59, %dma_start3A_60] : memref<64x8x4096xf32, #tpu.memory_space<hbm>> -> memref<1x8x4096xf32, #tpu.memory_space<hbm>>
    %dma_start3A_62 = tpu.memref_squeeze %dma_start3A_61 : memref<1x8x4096xf32, #tpu.memory_space<hbm>> -> memref<8x4096xf32, #tpu.memory_space<hbm>>
    %dma_start3A_63 = arith.constant 0 : i32
    %dma_start3A_64 = arith.constant 0 : i32
    %dma_start3A_65 = tpu.memref_slice %arg5[%add3A_53, %dma_start3A_63, %dma_start3A_64] : memref<64x8x4096xf32, #tpu.memory_space<hbm>> -> memref<1x8x4096xf32, #tpu.memory_space<hbm>>
    %dma_start3A_66 = tpu.memref_squeeze %dma_start3A_65 : memref<1x8x4096xf32, #tpu.memory_space<hbm>> -> memref<8x4096xf32, #tpu.memory_space<hbm>>
    %dma_start3A_67 = arith.constant 0 : i32
    %dma_start3A_68 = arith.constant 0 : i32
    %dma_start3A_69 = tpu.memref_slice %arg11[%dma_start3A_54, %dma_start3A_67, %dma_start3A_68] : memref<2x8x4096xf32, #tpu.memory_space<vmem>> -> memref<1x8x4096xf32, #tpu.memory_space<vmem>>
    %dma_start3A_70 = tpu.memref_squeeze %dma_start3A_69 : memref<1x8x4096xf32, #tpu.memory_space<vmem>> -> memref<8x4096xf32, #tpu.memory_space<vmem>>
    tpu.enqueue_dma source(%dma_start3A_70 : memref<8x4096xf32, #tpu.memory_space<vmem>>) target(%dma_start3A_66 : memref<8x4096xf32, #tpu.memory_space<hbm>>) target_semaphore(%arg16 : memref<!tpu.dma_semaphore, #tpu.memory_space<semaphore_mem>>)
    %add3A_71 = arith.constant 0 : i32
    %add3A_72 = arith.addi %mul3A_2, %add3A_71 : i32
    %dma_start3A_73 = arith.constant 0 : i32
    %dma_start3A_74 = arith.constant 0 : i32
    %dma_start3A_75 = tpu.memref_slice %arg12[%dma_start3A_73, %dma_start3A_74] : memref<2x4096xi32, #tpu.memory_space<vmem>> -> memref<1x4096xi32, #tpu.memory_space<vmem>>
    %dma_start3A_76 = tpu.memref_squeeze %dma_start3A_75 : memref<1x4096xi32, #tpu.memory_space<vmem>> -> memref<4096xi32, #tpu.memory_space<vmem>>
    %dma_start3A_77 = arith.constant 0 : i32
    %dma_start3A_78 = tpu.memref_slice %arg6[%add3A_72, %dma_start3A_77] : memref<64x4096xi32, #tpu.memory_space<hbm>> -> memref<1x4096xi32, #tpu.memory_space<hbm>>
    %dma_start3A_79 = tpu.memref_squeeze %dma_start3A_78 : memref<1x4096xi32, #tpu.memory_space<hbm>> -> memref<4096xi32, #tpu.memory_space<hbm>>
    %dma_start3A_80 = arith.constant 0 : i32
    %dma_start3A_81 = tpu.memref_slice %arg6[%add3A_72, %dma_start3A_80] : memref<64x4096xi32, #tpu.memory_space<hbm>> -> memref<1x4096xi32, #tpu.memory_space<hbm>>
    %dma_start3A_82 = tpu.memref_squeeze %dma_start3A_81 : memref<1x4096xi32, #tpu.memory_space<hbm>> -> memref<4096xi32, #tpu.memory_space<hbm>>
    %dma_start3A_83 = arith.constant 0 : i32
    %dma_start3A_84 = tpu.memref_slice %arg12[%dma_start3A_73, %dma_start3A_83] : memref<2x4096xi32, #tpu.memory_space<vmem>> -> memref<1x4096xi32, #tpu.memory_space<vmem>>
    %dma_start3A_85 = tpu.memref_squeeze %dma_start3A_84 : memref<1x4096xi32, #tpu.memory_space<vmem>> -> memref<4096xi32, #tpu.memory_space<vmem>>
    tpu.enqueue_dma source(%dma_start3A_85 : memref<4096xi32, #tpu.memory_space<vmem>>) target(%dma_start3A_82 : memref<4096xi32, #tpu.memory_space<hbm>>) target_semaphore(%arg16 : memref<!tpu.dma_semaphore, #tpu.memory_space<semaphore_mem>>)
    %dma_wait3A_86 = arith.constant 1 : i32
    %dma_wait3A_87 = arith.constant 0 : i32
    %dma_wait3A_88 = tpu.memref_slice %arg10[%dma_wait3A_86, %dma_wait3A_87] : memref<2x4096xi32, #tpu.memory_space<vmem>> -> memref<1x4096xi32, #tpu.memory_space<vmem>>
    %dma_wait3A_89 = tpu.memref_squeeze %dma_wait3A_88 : memref<1x4096xi32, #tpu.memory_space<vmem>> -> memref<4096xi32, #tpu.memory_space<vmem>>
    %dma_wait3A_90 = arith.constant 0 : i32
    %dma_wait3A_91 = tpu.memref_slice %arg4[%add3A_18, %dma_wait3A_90] : memref<64x4096xi32, #tpu.memory_space<hbm>> -> memref<1x4096xi32, #tpu.memory_space<hbm>>
    %dma_wait3A_92 = tpu.memref_squeeze %dma_wait3A_91 : memref<1x4096xi32, #tpu.memory_space<hbm>> -> memref<4096xi32, #tpu.memory_space<hbm>>
    %dma_wait3A_93 = arith.constant 0 : i32
    %dma_wait3A_94 = tpu.memref_slice %arg10[%dma_wait3A_86, %dma_wait3A_93] : memref<2x4096xi32, #tpu.memory_space<vmem>> -> memref<1x4096xi32, #tpu.memory_space<vmem>>
    %dma_wait3A_95 = tpu.memref_squeeze %dma_wait3A_94 : memref<1x4096xi32, #tpu.memory_space<vmem>> -> memref<4096xi32, #tpu.memory_space<vmem>>
    %dma_wait3A_96 = arith.constant 0 : i32
    %dma_wait3A_97 = tpu.memref_slice %arg4[%add3A_18, %dma_wait3A_96] : memref<64x4096xi32, #tpu.memory_space<hbm>> -> memref<1x4096xi32, #tpu.memory_space<hbm>>
    %dma_wait3A_98 = tpu.memref_squeeze %dma_wait3A_97 : memref<1x4096xi32, #tpu.memory_space<hbm>> -> memref<4096xi32, #tpu.memory_space<hbm>>
    tpu.wait_dma2 semaphore(%arg15 : memref<!tpu.dma_semaphore, #tpu.memory_space<semaphore_mem>>) src(%dma_wait3A_98 : memref<4096xi32, #tpu.memory_space<hbm>>) dst(%dma_wait3A_95 : memref<4096xi32, #tpu.memory_space<vmem>>)
    %parallel_loop3A_99 = arith.constant 0 : i32
    %parallel_loop3A_100 = arith.constant 4096 : i32
    %parallel_loop3A_101 = arith.constant 16 : i32
    scf.for %parallel_loop3A_196 = %parallel_loop3A_99 to %parallel_loop3A_100 step %parallel_loop3A_101  : i32 {
      %parallel_loop3A_197 = arith.constant 1 : i32
      %parallel_loop3A_198 = arith.index_cast %parallel_loop3A_197 : i32 to index
      %parallel_loop3A_199 = arith.index_cast %parallel_loop3A_196 : i32 to index
      %parallel_loop3A_200 = tpu.vector_load %arg10[%parallel_loop3A_198, %parallel_loop3A_199] {strides = array<i32>} : memref<2x4096xi32, #tpu.memory_space<vmem>>, vector<16xi32>,
      %parallel_loop3A_201 = tpu.vector_load_idx %arg9[%parallel_loop3A_200] : memref<512xi32, #tpu.memory_space<vmem>>[vector<16xi32>], vector<16xi32>,
      %parallel_loop3A_202 = arith.constant 1 : i32
      %parallel_loop3A_203 = arith.index_cast %parallel_loop3A_202 : i32 to index
      %parallel_loop3A_204 = arith.index_cast %parallel_loop3A_196 : i32 to index
      %parallel_loop3A_205 = tpu.vector_load %arg12[%parallel_loop3A_203, %parallel_loop3A_204] {strides = array<i32>} : memref<2x4096xi32, #tpu.memory_space<vmem>>, vector<16xi32>,
      tpu.vector_store %arg12[%parallel_loop3A_203, %parallel_loop3A_204], %parallel_loop3A_201 {strides = array<i32>} : memref<2x4096xi32, #tpu.memory_space<vmem>>, vector<16xi32>,
      %parallel_loop3A_206 = arith.constant 9 : i32
      %parallel_loop3A_207 = vector.broadcast %parallel_loop3A_206 : i32 to vector<16xi32>
      %parallel_loop3A_208 = arith.muli %parallel_loop3A_200, %parallel_loop3A_207 : vector<16xi32>
      %parallel_loop3A_209 = arith.constant 0 : i32
      %parallel_loop3A_210 = vector.broadcast %parallel_loop3A_209 : i32 to vector<16xi32>
      %parallel_loop3A_211 = arith.addi %parallel_loop3A_208, %parallel_loop3A_210 : vector<16xi32>
      %parallel_loop3A_212 = tpu.vector_load_idx %arg8[%parallel_loop3A_211] : memref<4608xf32, #tpu.memory_space<vmem>>[vector<16xi32>], vector<16xf32>,
      %parallel_loop3A_213 = arith.constant 1 : i32
      %parallel_loop3A_214 = arith.constant 0 : i32
      %parallel_loop3A_215 = arith.index_cast %parallel_loop3A_213 : i32 to index
      %parallel_loop3A_216 = arith.index_cast %parallel_loop3A_214 : i32 to index
      %parallel_loop3A_217 = arith.index_cast %parallel_loop3A_196 : i32 to index
      %parallel_loop3A_218 = tpu.vector_load %arg11[%parallel_loop3A_215, %parallel_loop3A_216, %parallel_loop3A_217] {strides = array<i32>} : memref<2x8x4096xf32, #tpu.memory_space<vmem>>, vector<16xf32>,
      tpu.vector_store %arg11[%parallel_loop3A_215, %parallel_loop3A_216, %parallel_loop3A_217], %parallel_loop3A_212 {strides = array<i32>} : memref<2x8x4096xf32, #tpu.memory_space<vmem>>, vector<16xf32>,
      %parallel_loop3A_219 = arith.constant 1 : i32
      %parallel_loop3A_220 = vector.broadcast %parallel_loop3A_219 : i32 to vector<16xi32>
      %parallel_loop3A_221 = arith.addi %parallel_loop3A_208, %parallel_loop3A_220 : vector<16xi32>
      %parallel_loop3A_222 = tpu.vector_load_idx %arg8[%parallel_loop3A_221] : memref<4608xf32, #tpu.memory_space<vmem>>[vector<16xi32>], vector<16xf32>,
      %parallel_loop3A_223 = arith.constant 1 : i32
      %parallel_loop3A_224 = arith.constant 1 : i32
      %parallel_loop3A_225 = arith.index_cast %parallel_loop3A_223 : i32 to index
      %parallel_loop3A_226 = arith.index_cast %parallel_loop3A_224 : i32 to index
      %parallel_loop3A_227 = arith.index_cast %parallel_loop3A_196 : i32 to index
      %parallel_loop3A_228 = tpu.vector_load %arg11[%parallel_loop3A_225, %parallel_loop3A_226, %parallel_loop3A_227] {strides = array<i32>} : memref<2x8x4096xf32, #tpu.memory_space<vmem>>, vector<16xf32>,
      tpu.vector_store %arg11[%parallel_loop3A_225, %parallel_loop3A_226, %parallel_loop3A_227], %parallel_loop3A_222 {strides = array<i32>} : memref<2x8x4096xf32, #tpu.memory_space<vmem>>, vector<16xf32>,
      %parallel_loop3A_229 = arith.constant 2 : i32
      %parallel_loop3A_230 = vector.broadcast %parallel_loop3A_229 : i32 to vector<16xi32>
      %parallel_loop3A_231 = arith.addi %parallel_loop3A_208, %parallel_loop3A_230 : vector<16xi32>
      %parallel_loop3A_232 = tpu.vector_load_idx %arg8[%parallel_loop3A_231] : memref<4608xf32, #tpu.memory_space<vmem>>[vector<16xi32>], vector<16xf32>,
      %parallel_loop3A_233 = arith.constant 1 : i32
      %parallel_loop3A_234 = arith.constant 2 : i32
      %parallel_loop3A_235 = arith.index_cast %parallel_loop3A_233 : i32 to index
      %parallel_loop3A_236 = arith.index_cast %parallel_loop3A_234 : i32 to index
      %parallel_loop3A_237 = arith.index_cast %parallel_loop3A_196 : i32 to index
      %parallel_loop3A_238 = tpu.vector_load %arg11[%parallel_loop3A_235, %parallel_loop3A_236, %parallel_loop3A_237] {strides = array<i32>} : memref<2x8x4096xf32, #tpu.memory_space<vmem>>, vector<16xf32>,
      tpu.vector_store %arg11[%parallel_loop3A_235, %parallel_loop3A_236, %parallel_loop3A_237], %parallel_loop3A_232 {strides = array<i32>} : memref<2x8x4096xf32, #tpu.memory_space<vmem>>, vector<16xf32>,
      %parallel_loop3A_239 = arith.constant 3 : i32
      %parallel_loop3A_240 = vector.broadcast %parallel_loop3A_239 : i32 to vector<16xi32>
      %parallel_loop3A_241 = arith.addi %parallel_loop3A_208, %parallel_loop3A_240 : vector<16xi32>
      %parallel_loop3A_242 = tpu.vector_load_idx %arg8[%parallel_loop3A_241] : memref<4608xf32, #tpu.memory_space<vmem>>[vector<16xi32>], vector<16xf32>,
      %parallel_loop3A_243 = arith.constant 1 : i32
      %parallel_loop3A_244 = arith.constant 3 : i32
      %parallel_loop3A_245 = arith.index_cast %parallel_loop3A_243 : i32 to index
      %parallel_loop3A_246 = arith.index_cast %parallel_loop3A_244 : i32 to index
      %parallel_loop3A_247 = arith.index_cast %parallel_loop3A_196 : i32 to index
      %parallel_loop3A_248 = tpu.vector_load %arg11[%parallel_loop3A_245, %parallel_loop3A_246, %parallel_loop3A_247] {strides = array<i32>} : memref<2x8x4096xf32, #tpu.memory_space<vmem>>, vector<16xf32>,
      tpu.vector_store %arg11[%parallel_loop3A_245, %parallel_loop3A_246, %parallel_loop3A_247], %parallel_loop3A_242 {strides = array<i32>} : memref<2x8x4096xf32, #tpu.memory_space<vmem>>, vector<16xf32>,
      %parallel_loop3A_249 = arith.constant 4 : i32
      %parallel_loop3A_250 = vector.broadcast %parallel_loop3A_249 : i32 to vector<16xi32>
      %parallel_loop3A_251 = arith.addi %parallel_loop3A_208, %parallel_loop3A_250 : vector<16xi32>
      %parallel_loop3A_252 = tpu.vector_load_idx %arg8[%parallel_loop3A_251] : memref<4608xf32, #tpu.memory_space<vmem>>[vector<16xi32>], vector<16xf32>,
      %parallel_loop3A_253 = arith.constant 1 : i32
      %parallel_loop3A_254 = arith.constant 4 : i32
      %parallel_loop3A_255 = arith.index_cast %parallel_loop3A_253 : i32 to index
      %parallel_loop3A_256 = arith.index_cast %parallel_loop3A_254 : i32 to index
      %parallel_loop3A_257 = arith.index_cast %parallel_loop3A_196 : i32 to index
      %parallel_loop3A_258 = tpu.vector_load %arg11[%parallel_loop3A_255, %parallel_loop3A_256, %parallel_loop3A_257] {strides = array<i32>} : memref<2x8x4096xf32, #tpu.memory_space<vmem>>, vector<16xf32>,
      tpu.vector_store %arg11[%parallel_loop3A_255, %parallel_loop3A_256, %parallel_loop3A_257], %parallel_loop3A_252 {strides = array<i32>} : memref<2x8x4096xf32, #tpu.memory_space<vmem>>, vector<16xf32>,
      %parallel_loop3A_259 = arith.constant 5 : i32
      %parallel_loop3A_260 = vector.broadcast %parallel_loop3A_259 : i32 to vector<16xi32>
      %parallel_loop3A_261 = arith.addi %parallel_loop3A_208, %parallel_loop3A_260 : vector<16xi32>
      %parallel_loop3A_262 = tpu.vector_load_idx %arg8[%parallel_loop3A_261] : memref<4608xf32, #tpu.memory_space<vmem>>[vector<16xi32>], vector<16xf32>,
      %parallel_loop3A_263 = arith.constant 1 : i32
      %parallel_loop3A_264 = arith.constant 5 : i32
      %parallel_loop3A_265 = arith.index_cast %parallel_loop3A_263 : i32 to index
      %parallel_loop3A_266 = arith.index_cast %parallel_loop3A_264 : i32 to index
      %parallel_loop3A_267 = arith.index_cast %parallel_loop3A_196 : i32 to index
      %parallel_loop3A_268 = tpu.vector_load %arg11[%parallel_loop3A_265, %parallel_loop3A_266, %parallel_loop3A_267] {strides = array<i32>} : memref<2x8x4096xf32, #tpu.memory_space<vmem>>, vector<16xf32>,
      tpu.vector_store %arg11[%parallel_loop3A_265, %parallel_loop3A_266, %parallel_loop3A_267], %parallel_loop3A_262 {strides = array<i32>} : memref<2x8x4096xf32, #tpu.memory_space<vmem>>, vector<16xf32>,
      %parallel_loop3A_269 = arith.constant 6 : i32
      %parallel_loop3A_270 = vector.broadcast %parallel_loop3A_269 : i32 to vector<16xi32>
      %parallel_loop3A_271 = arith.addi %parallel_loop3A_208, %parallel_loop3A_270 : vector<16xi32>
      %parallel_loop3A_272 = tpu.vector_load_idx %arg8[%parallel_loop3A_271] : memref<4608xf32, #tpu.memory_space<vmem>>[vector<16xi32>], vector<16xf32>,
      %parallel_loop3A_273 = arith.constant 1 : i32
      %parallel_loop3A_274 = arith.constant 6 : i32
      %parallel_loop3A_275 = arith.index_cast %parallel_loop3A_273 : i32 to index
      %parallel_loop3A_276 = arith.index_cast %parallel_loop3A_274 : i32 to index
      %parallel_loop3A_277 = arith.index_cast %parallel_loop3A_196 : i32 to index
      %parallel_loop3A_278 = tpu.vector_load %arg11[%parallel_loop3A_275, %parallel_loop3A_276, %parallel_loop3A_277] {strides = array<i32>} : memref<2x8x4096xf32, #tpu.memory_space<vmem>>, vector<16xf32>,
      tpu.vector_store %arg11[%parallel_loop3A_275, %parallel_loop3A_276, %parallel_loop3A_277], %parallel_loop3A_272 {strides = array<i32>} : memref<2x8x4096xf32, #tpu.memory_space<vmem>>, vector<16xf32>,
      %parallel_loop3A_279 = arith.constant 7 : i32
      %parallel_loop3A_280 = vector.broadcast %parallel_loop3A_279 : i32 to vector<16xi32>
      %parallel_loop3A_281 = arith.addi %parallel_loop3A_208, %parallel_loop3A_280 : vector<16xi32>
      %parallel_loop3A_282 = tpu.vector_load_idx %arg8[%parallel_loop3A_281] : memref<4608xf32, #tpu.memory_space<vmem>>[vector<16xi32>], vector<16xf32>,
      %parallel_loop3A_283 = arith.constant 1 : i32
      %parallel_loop3A_284 = arith.constant 7 : i32
      %parallel_loop3A_285 = arith.index_cast %parallel_loop3A_283 : i32 to index
      %parallel_loop3A_286 = arith.index_cast %parallel_loop3A_284 : i32 to index
      %parallel_loop3A_287 = arith.index_cast %parallel_loop3A_196 : i32 to index
      %parallel_loop3A_288 = tpu.vector_load %arg11[%parallel_loop3A_285, %parallel_loop3A_286, %parallel_loop3A_287] {strides = array<i32>} : memref<2x8x4096xf32, #tpu.memory_space<vmem>>, vector<16xf32>,
      tpu.vector_store %arg11[%parallel_loop3A_285, %parallel_loop3A_286, %parallel_loop3A_287], %parallel_loop3A_282 {strides = array<i32>} : memref<2x8x4096xf32, #tpu.memory_space<vmem>>, vector<16xf32>,
    } {sc.loop_unroll_factor = 8 : i64, sc.parallel_access}
    %add3A_102 = arith.constant 1 : i32
    %add3A_103 = arith.addi %mul3A_2, %add3A_102 : i32
    %dma_start3A_104 = arith.constant 1 : i32
    %dma_start3A_105 = arith.constant 0 : i32
    %dma_start3A_106 = arith.constant 0 : i32
    %dma_start3A_107 = tpu.memref_slice %arg11[%dma_start3A_104, %dma_start3A_105, %dma_start3A_106] : memref<2x8x4096xf32, #tpu.memory_space<vmem>> -> memref<1x8x4096xf32, #tpu.memory_space<vmem>>
    %dma_start3A_108 = tpu.memref_squeeze %dma_start3A_107 : memref<1x8x4096xf32, #tpu.memory_space<vmem>> -> memref<8x4096xf32, #tpu.memory_space<vmem>>
    %dma_start3A_109 = arith.constant 0 : i32
    %dma_start3A_110 = arith.constant 0 : i32
    %dma_start3A_111 = tpu.memref_slice %arg5[%add3A_103, %dma_start3A_109, %dma_start3A_110] : memref<64x8x4096xf32, #tpu.memory_space<hbm>> -> memref<1x8x4096xf32, #tpu.memory_space<hbm>>
    %dma_start3A_112 = tpu.memref_squeeze %dma_start3A_111 : memref<1x8x4096xf32, #tpu.memory_space<hbm>> -> memref<8x4096xf32, #tpu.memory_space<hbm>>
    %dma_start3A_113 = arith.constant 0 : i32
    %dma_start3A_114 = arith.constant 0 : i32
    %dma_start3A_115 = tpu.memref_slice %arg5[%add3A_103, %dma_start3A_113, %dma_start3A_114] : memref<64x8x4096xf32, #tpu.memory_space<hbm>> -> memref<1x8x4096xf32, #tpu.memory_space<hbm>>
    %dma_start3A_116 = tpu.memref_squeeze %dma_start3A_115 : memref<1x8x4096xf32, #tpu.memory_space<hbm>> -> memref<8x4096xf32, #tpu.memory_space<hbm>>
    %dma_start3A_117 = arith.constant 0 : i32
    %dma_start3A_118 = arith.constant 0 : i32
    %dma_start3A_119 = tpu.memref_slice %arg11[%dma_start3A_104, %dma_start3A_117, %dma_start3A_118] : memref<2x8x4096xf32, #tpu.memory_space<vmem>> -> memref<1x8x4096xf32, #tpu.memory_space<vmem>>
    %dma_start3A_120 = tpu.memref_squeeze %dma_start3A_119 : memref<1x8x4096xf32, #tpu.memory_space<vmem>> -> memref<8x4096xf32, #tpu.memory_space<vmem>>
    tpu.enqueue_dma source(%dma_start3A_120 : memref<8x4096xf32, #tpu.memory_space<vmem>>) target(%dma_start3A_116 : memref<8x4096xf32, #tpu.memory_space<hbm>>) target_semaphore(%arg16 : memref<!tpu.dma_semaphore, #tpu.memory_space<semaphore_mem>>)
    %add3A_121 = arith.constant 1 : i32
    %add3A_122 = arith.addi %mul3A_2, %add3A_121 : i32
    %dma_start3A_123 = arith.constant 1 : i32
    %dma_start3A_124 = arith.constant 0 : i32
    %dma_start3A_125 = tpu.memref_slice %arg12[%dma_start3A_123, %dma_start3A_124] : memref<2x4096xi32, #tpu.memory_space<vmem>> -> memref<1x4096xi32, #tpu.memory_space<vmem>>
    %dma_start3A_126 = tpu.memref_squeeze %dma_start3A_125 : memref<1x4096xi32, #tpu.memory_space<vmem>> -> memref<4096xi32, #tpu.memory_space<vmem>>
    %dma_start3A_127 = arith.constant 0 : i32
    %dma_start3A_128 = tpu.memref_slice %arg6[%add3A_122, %dma_start3A_127] : memref<64x4096xi32, #tpu.memory_space<hbm>> -> memref<1x4096xi32, #tpu.memory_space<hbm>>
    %dma_start3A_129 = tpu.memref_squeeze %dma_start3A_128 : memref<1x4096xi32, #tpu.memory_space<hbm>> -> memref<4096xi32, #tpu.memory_space<hbm>>
    %dma_start3A_130 = arith.constant 0 : i32
    %dma_start3A_131 = tpu.memref_slice %arg6[%add3A_122, %dma_start3A_130] : memref<64x4096xi32, #tpu.memory_space<hbm>> -> memref<1x4096xi32, #tpu.memory_space<hbm>>
    %dma_start3A_132 = tpu.memref_squeeze %dma_start3A_131 : memref<1x4096xi32, #tpu.memory_space<hbm>> -> memref<4096xi32, #tpu.memory_space<hbm>>
    %dma_start3A_133 = arith.constant 0 : i32
    %dma_start3A_134 = tpu.memref_slice %arg12[%dma_start3A_123, %dma_start3A_133] : memref<2x4096xi32, #tpu.memory_space<vmem>> -> memref<1x4096xi32, #tpu.memory_space<vmem>>
    %dma_start3A_135 = tpu.memref_squeeze %dma_start3A_134 : memref<1x4096xi32, #tpu.memory_space<vmem>> -> memref<4096xi32, #tpu.memory_space<vmem>>
    tpu.enqueue_dma source(%dma_start3A_135 : memref<4096xi32, #tpu.memory_space<vmem>>) target(%dma_start3A_132 : memref<4096xi32, #tpu.memory_space<hbm>>) target_semaphore(%arg16 : memref<!tpu.dma_semaphore, #tpu.memory_space<semaphore_mem>>)
    %dma_wait3A_136 = arith.constant 0 : i32
    %dma_wait3A_137 = arith.constant 0 : i32
    %dma_wait3A_138 = arith.constant 0 : i32
    %dma_wait3A_139 = tpu.memref_slice %arg11[%dma_wait3A_136, %dma_wait3A_137, %dma_wait3A_138] : memref<2x8x4096xf32, #tpu.memory_space<vmem>> -> memref<1x8x4096xf32, #tpu.memory_space<vmem>>
    %dma_wait3A_140 = tpu.memref_squeeze %dma_wait3A_139 : memref<1x8x4096xf32, #tpu.memory_space<vmem>> -> memref<8x4096xf32, #tpu.memory_space<vmem>>
    %dma_wait3A_141 = arith.constant 0 : i32
    %dma_wait3A_142 = arith.constant 0 : i32
    %dma_wait3A_143 = tpu.memref_slice %arg5[%add3A_53, %dma_wait3A_141, %dma_wait3A_142] : memref<64x8x4096xf32, #tpu.memory_space<hbm>> -> memref<1x8x4096xf32, #tpu.memory_space<hbm>>
    %dma_wait3A_144 = tpu.memref_squeeze %dma_wait3A_143 : memref<1x8x4096xf32, #tpu.memory_space<hbm>> -> memref<8x4096xf32, #tpu.memory_space<hbm>>
    %dma_wait3A_145 = arith.constant 0 : i32
    %dma_wait3A_146 = arith.constant 0 : i32
    %dma_wait3A_147 = tpu.memref_slice %arg5[%add3A_53, %dma_wait3A_145, %dma_wait3A_146] : memref<64x8x4096xf32, #tpu.memory_space<hbm>> -> memref<1x8x4096xf32, #tpu.memory_space<hbm>>
    %dma_wait3A_148 = tpu.memref_squeeze %dma_wait3A_147 : memref<1x8x4096xf32, #tpu.memory_space<hbm>> -> memref<8x4096xf32, #tpu.memory_space<hbm>>
    %dma_wait3A_149 = arith.constant 0 : i32
    %dma_wait3A_150 = arith.constant 0 : i32
    %dma_wait3A_151 = tpu.memref_slice %arg11[%dma_wait3A_136, %dma_wait3A_149, %dma_wait3A_150] : memref<2x8x4096xf32, #tpu.memory_space<vmem>> -> memref<1x8x4096xf32, #tpu.memory_space<vmem>>
    %dma_wait3A_152 = tpu.memref_squeeze %dma_wait3A_151 : memref<1x8x4096xf32, #tpu.memory_space<vmem>> -> memref<8x4096xf32, #tpu.memory_space<vmem>>
    tpu.wait_dma2 semaphore(%arg16 : memref<!tpu.dma_semaphore, #tpu.memory_space<semaphore_mem>>) src(%dma_wait3A_152 : memref<8x4096xf32, #tpu.memory_space<vmem>>) dst(%dma_wait3A_148 : memref<8x4096xf32, #tpu.memory_space<hbm>>)
    %dma_wait3A_153 = arith.constant 0 : i32
    %dma_wait3A_154 = arith.constant 0 : i32
    %dma_wait3A_155 = tpu.memref_slice %arg12[%dma_wait3A_153, %dma_wait3A_154] : memref<2x4096xi32, #tpu.memory_space<vmem>> -> memref<1x4096xi32, #tpu.memory_space<vmem>>
    %dma_wait3A_156 = tpu.memref_squeeze %dma_wait3A_155 : memref<1x4096xi32, #tpu.memory_space<vmem>> -> memref<4096xi32, #tpu.memory_space<vmem>>
    %dma_wait3A_157 = arith.constant 0 : i32
    %dma_wait3A_158 = tpu.memref_slice %arg6[%add3A_72, %dma_wait3A_157] : memref<64x4096xi32, #tpu.memory_space<hbm>> -> memref<1x4096xi32, #tpu.memory_space<hbm>>
    %dma_wait3A_159 = tpu.memref_squeeze %dma_wait3A_158 : memref<1x4096xi32, #tpu.memory_space<hbm>> -> memref<4096xi32, #tpu.memory_space<hbm>>
    %dma_wait3A_160 = arith.constant 0 : i32
    %dma_wait3A_161 = tpu.memref_slice %arg6[%add3A_72, %dma_wait3A_160] : memref<64x4096xi32, #tpu.memory_space<hbm>> -> memref<1x4096xi32, #tpu.memory_space<hbm>>
    %dma_wait3A_162 = tpu.memref_squeeze %dma_wait3A_161 : memref<1x4096xi32, #tpu.memory_space<hbm>> -> memref<4096xi32, #tpu.memory_space<hbm>>
    %dma_wait3A_163 = arith.constant 0 : i32
    %dma_wait3A_164 = tpu.memref_slice %arg12[%dma_wait3A_153, %dma_wait3A_163] : memref<2x4096xi32, #tpu.memory_space<vmem>> -> memref<1x4096xi32, #tpu.memory_space<vmem>>
    %dma_wait3A_165 = tpu.memref_squeeze %dma_wait3A_164 : memref<1x4096xi32, #tpu.memory_space<vmem>> -> memref<4096xi32, #tpu.memory_space<vmem>>
    tpu.wait_dma2 semaphore(%arg16 : memref<!tpu.dma_semaphore, #tpu.memory_space<semaphore_mem>>) src(%dma_wait3A_165 : memref<4096xi32, #tpu.memory_space<vmem>>) dst(%dma_wait3A_162 : memref<4096xi32, #tpu.memory_space<hbm>>)
    %dma_wait3A_166 = arith.constant 1 : i32
    %dma_wait3A_167 = arith.constant 0 : i32
    %dma_wait3A_168 = arith.constant 0 : i32
    %dma_wait3A_169 = tpu.memref_slice %arg11[%dma_wait3A_166, %dma_wait3A_167, %dma_wait3A_168] : memref<2x8x4096xf32, #tpu.memory_space<vmem>> -> memref<1x8x4096xf32, #tpu.memory_space<vmem>>
    %dma_wait3A_170 = tpu.memref_squeeze %dma_wait3A_169 : memref<1x8x4096xf32, #tpu.memory_space<vmem>> -> memref<8x4096xf32, #tpu.memory_space<vmem>>
    %dma_wait3A_171 = arith.constant 0 : i32
    %dma_wait3A_172 = arith.constant 0 : i32
    %dma_wait3A_173 = tpu.memref_slice %arg5[%add3A_103, %dma_wait3A_171, %dma_wait3A_172] : memref<64x8x4096xf32, #tpu.memory_space<hbm>> -> memref<1x8x4096xf32, #tpu.memory_space<hbm>>
    %dma_wait3A_174 = tpu.memref_squeeze %dma_wait3A_173 : memref<1x8x4096xf32, #tpu.memory_space<hbm>> -> memref<8x4096xf32, #tpu.memory_space<hbm>>
    %dma_wait3A_175 = arith.constant 0 : i32
    %dma_wait3A_176 = arith.constant 0 : i32
    %dma_wait3A_177 = tpu.memref_slice %arg5[%add3A_103, %dma_wait3A_175, %dma_wait3A_176] : memref<64x8x4096xf32, #tpu.memory_space<hbm>> -> memref<1x8x4096xf32, #tpu.memory_space<hbm>>
    %dma_wait3A_178 = tpu.memref_squeeze %dma_wait3A_177 : memref<1x8x4096xf32, #tpu.memory_space<hbm>> -> memref<8x4096xf32, #tpu.memory_space<hbm>>
    %dma_wait3A_179 = arith.constant 0 : i32
    %dma_wait3A_180 = arith.constant 0 : i32
    %dma_wait3A_181 = tpu.memref_slice %arg11[%dma_wait3A_166, %dma_wait3A_179, %dma_wait3A_180] : memref<2x8x4096xf32, #tpu.memory_space<vmem>> -> memref<1x8x4096xf32, #tpu.memory_space<vmem>>
    %dma_wait3A_182 = tpu.memref_squeeze %dma_wait3A_181 : memref<1x8x4096xf32, #tpu.memory_space<vmem>> -> memref<8x4096xf32, #tpu.memory_space<vmem>>
    tpu.wait_dma2 semaphore(%arg16 : memref<!tpu.dma_semaphore, #tpu.memory_space<semaphore_mem>>) src(%dma_wait3A_182 : memref<8x4096xf32, #tpu.memory_space<vmem>>) dst(%dma_wait3A_178 : memref<8x4096xf32, #tpu.memory_space<hbm>>)
    %dma_wait3A_183 = arith.constant 1 : i32
    %dma_wait3A_184 = arith.constant 0 : i32
    %dma_wait3A_185 = tpu.memref_slice %arg12[%dma_wait3A_183, %dma_wait3A_184] : memref<2x4096xi32, #tpu.memory_space<vmem>> -> memref<1x4096xi32, #tpu.memory_space<vmem>>
    %dma_wait3A_186 = tpu.memref_squeeze %dma_wait3A_185 : memref<1x4096xi32, #tpu.memory_space<vmem>> -> memref<4096xi32, #tpu.memory_space<vmem>>
    %dma_wait3A_187 = arith.constant 0 : i32
    %dma_wait3A_188 = tpu.memref_slice %arg6[%add3A_122, %dma_wait3A_187] : memref<64x4096xi32, #tpu.memory_space<hbm>> -> memref<1x4096xi32, #tpu.memory_space<hbm>>
    %dma_wait3A_189 = tpu.memref_squeeze %dma_wait3A_188 : memref<1x4096xi32, #tpu.memory_space<hbm>> -> memref<4096xi32, #tpu.memory_space<hbm>>
    %dma_wait3A_190 = arith.constant 0 : i32
    %dma_wait3A_191 = tpu.memref_slice %arg6[%add3A_122, %dma_wait3A_190] : memref<64x4096xi32, #tpu.memory_space<hbm>> -> memref<1x4096xi32, #tpu.memory_space<hbm>>
    %dma_wait3A_192 = tpu.memref_squeeze %dma_wait3A_191 : memref<1x4096xi32, #tpu.memory_space<hbm>> -> memref<4096xi32, #tpu.memory_space<hbm>>
    %dma_wait3A_193 = arith.constant 0 : i32
    %dma_wait3A_194 = tpu.memref_slice %arg12[%dma_wait3A_183, %dma_wait3A_193] : memref<2x4096xi32, #tpu.memory_space<vmem>> -> memref<1x4096xi32, #tpu.memory_space<vmem>>
    %dma_wait3A_195 = tpu.memref_squeeze %dma_wait3A_194 : memref<1x4096xi32, #tpu.memory_space<vmem>> -> memref<4096xi32, #tpu.memory_space<vmem>>
    tpu.wait_dma2 semaphore(%arg16 : memref<!tpu.dma_semaphore, #tpu.memory_space<semaphore_mem>>) src(%dma_wait3A_195 : memref<4096xi32, #tpu.memory_space<vmem>>) dst(%dma_wait3A_192 : memref<4096xi32, #tpu.memory_space<hbm>>)
    return
  }
}

module attributes {stable_mosaic.version = 14 : i64} {
  func.func @_nn_body(%arg0: memref<8x512xf32, #tpu.memory_space<vmem>>, %arg1: memref<512xi32, #tpu.memory_space<vmem>>) attributes {dimension_semantics = [], scalar_prefetch = 0 : i64, scratch_operands = 0 : i64, tpu.core_type = #tpu.core_type<tc>} {
    %get3A = arith.constant 0 : index
    %get3A_0 = arith.constant 0 : index
    %get3A_1 = vector.load %arg0[%get3A, %get3A_0] : memref<8x512xf32, #tpu.memory_space<vmem>>, vector<8x512xf32>
    %mul3A = arith.mulf %get3A_1, %get3A_1 : vector<8x512xf32>
    %reduce_sum3A = arith.constant dense<0.000000e+00> : vector<512xf32>
    %reduce_sum3A_2 = vector.multi_reduction <add>, %mul3A, %reduce_sum3A [0] : vector<8x512xf32> to vector<512xf32>
    %broadcast_in_dim3A = vector.shape_cast %reduce_sum3A_2 : vector<512xf32> to vector<1x512xf32>
    %dot_general3A = arith.constant dense<0.000000e+00> : vector<512x512xf32>
    %dot_general3A_3 = tpu.matmul %get3A_1, %get3A_1, %dot_general3A {dimension_numbers = #tpu.dot_dimension_numbers<[0], [0], [1], [1], [0, 1, 1, 1], [], []>, transpose_lhs_hint = false} : vector<8x512xf32>, vector<8x512xf32>, vector<512x512xf32> -> vector<512x512xf32>
    %mul3A_4 = arith.constant 2.000000e+00 : f32
    %mul3A_5 = vector.broadcast %mul3A_4 : f32 to vector<512x512xf32>
    %mul3A_6 = arith.mulf %mul3A_5, %dot_general3A_3 : vector<512x512xf32>
    %sub3A = vector.broadcast %broadcast_in_dim3A : vector<1x512xf32> to vector<512x512xf32>
    %sub3A_7 = arith.subf %sub3A, %mul3A_6 : vector<512x512xf32>
    %reduce_min3A = arith.constant dense<0x7F800000> : vector<512xf32>
    %reduce_min3A_8 = vector.multi_reduction <minimumf>, %sub3A_7, %reduce_min3A [1] : vector<512x512xf32> to vector<512xf32>
    %broadcast_in_dim3A_9 = vector.shape_cast %reduce_min3A_8 : vector<512xf32> to vector<512x1xf32>
    %iota3A = tpu.iota {dimensions = array<i32: 1>} : vector<512x512xi32>
    %eq3A = vector.broadcast %broadcast_in_dim3A_9 : vector<512x1xf32> to vector<512x512xf32>
    %eq3A_10 = arith.cmpf oeq, %sub3A_7, %eq3A : vector<512x512xf32>
    %jit3A = arith.constant 512 : i32
    %broadcast_in_dim3A_11 = vector.broadcast %jit3A : i32 to vector<512x512xi32>
    %select_n3A = arith.select %eq3A_10, %iota3A, %broadcast_in_dim3A_11 : vector<512x512xi1>, vector<512x512xi32>
    %reduce_min3A_12 = arith.constant dense<2147483647> : vector<512xi32>
    %reduce_min3A_13 = vector.multi_reduction <minsi>, %select_n3A, %reduce_min3A_12 [1] : vector<512x512xi32> to vector<512xi32>
    %swap3A = arith.constant 0 : index
    %swap3A_14 = vector.load %arg1[%swap3A] : memref<512xi32, #tpu.memory_space<vmem>>, vector<512xi32>
    tpu.vector_store %arg1[%swap3A], %reduce_min3A_13 {strides = array<i32>} : memref<512xi32, #tpu.memory_space<vmem>>, vector<512xi32>,
    return
  }
}

</mosaic_0001>

<sc_bundles>
// kernel: kernel.4.cloned.1.call-start
scs
__scs_entry_jumppad:
0x0: {  	(pc) =	sbr.rel $0x88, $3  }
0x1: {  	(tag) =	ssettag $0x0;
	lr =	simm.s32 $0x1  }
0x2: {  	[smem:$0x3F9F] =	sst lr;
	_ =	strace $0xD0000000  }
0x3: {  	_ = 	snop  }
0x4: {  	_ = 	snop  }
0x5: {  	_ = 	snop  }
0x6: {  	_ = 	snop  }
0x7: {  	_ = 	snop  }
__scs_overlays_trampoline_lowered:
0x8: {  	[smem:$0x3FAE] =	sst s0  }
0x9: {  	[smem:$0x3FAF] =	sst s1  }
0xa: {  	[smem:$0x3FB0] =	sst s2  }
0xb: {  	[smem:$0x3FB1] =	sst s3  }
0xc: {  	[smem:$0x3FB2] =	sst s4  }
0xd: {  	[smem:$0x3FB3] =	sst s5  }
0xe: {  	[smem:$0x3FB4] =	sst s6  }
0xf: {  	[smem:$0x3FB5] =	sst s7  }
0x10: {  	[smem:$0x3FB6] =	sst s8  }
0x11: {  	[smem:$0x3FB7] =	sst s9;
	s0 =	simm.s32 @!p0 $0x0  }
0x12: {  	s1 =	sld [smem:$0x3F9D];
	s0 =	simm.s32 @p0 $0x1  }
0x13: {  	[smem:$0x3FB8] =	sst s0;
	s0 =	simm.s32 @!p1 $0x0  }
0x14: {  	s2 =	sld [smem:$0x3F9C];
	s0 =	simm.s32 @p1 $0x1  }
0x15: {  	[smem:$0x3FB9] =	sst s0;
	s0 =	simm.s32 @!p2 $0x0  }
0x16: {  	s3 =	sld [smem:$0x3FDB];
	s0 =	simm.s32 @p2 $0x1  }
0x17: {  	s4 =	simm.s32 $0x1BF5;
	[smem:$0x3FBB] =	sst s0  }
0x18: {  	s0 =	sld [smem:$0x3F9E];
	_ =	swait.ge [sflag:s4], $0x0  }
0x19: {  	s7 =	sld [smem:$0x3F9F]  }
0x1a: {  	s8 =	sadd.s32 $0xFFFFE003, lr  }
0x1b: {  	s9 =	sadd.s32 $0xFFFFFEF7, lr;
	s5 =	simm.s32 $0xFFFFFFFF;
	p2 =	slt.u32 s8, $0xFFFFF086  }
0x1c: {  	p1 =	slt.u32 s9, $0xF7A;
	s5 =	simm.s32 @!p2 $0x0  }
0x1d: {  	s5 =	simm.s32 @p1 $0x1;
	p0 =	seq.s32 s7, s2  }
0x1e: {  	s7 =	smul.u32 @!p0 $0xF7A, s2;
	p2 =	seq.s32 @!p0 s5, $0x0  }
0x1f: {  	s9 =	smul.u32 $0xF7A, s1;
	s8 =	simm.s32 @!p0 $0x1BF5;
	p2 =	por !p2, p0  }
0x20: {  	[sflag:s8] =	ssyncset.s32 @!p0 $0xFFFFF086;
	s6 =	sadd.s32 @!p0 s3, s7;
	s7 =	simm.s32 @!p0 $0x108  }
0x21: {  	s3 =	sadd.s32 s3, s9;
	s6 =	sadd.s32 @!p0 $0x88, s6;
	s7 =	simm.s32 @p2 $0x1082  }
0x22: {  	[simem:s7], [sflag:s8] =	dma.local @!p0 [hbm:s6], $0xF7A  }
0x23: {  	s9 =	sor.u32 $0xD0000000, s2;
	s6 =	simm.s32 $0x108;
	_ =	swait.ge @!p0 [sflag:s8], $0x0  }
0x24: {  	s3 =	sadd.s32 $0x88, s3;
	s6 =	simm.s32 @!p1 $0x1082;
	[sflag:s4] =	ssyncset.s32 $0xFFFFF086  }
0x25: {  	[simem:s6], [sflag:s4] =	dma.local [hbm:s3], $0xF7A  }
0x26: {  	[smem:$0x3F9F] =	sst s1;
	(tag) =	ssettag s2;
	_ =	strace s9  }
0x27: {  	s1 =	sld [smem:$0x3FAF]  }
0x28: {  	s2 =	sld [smem:$0x3FB0]  }
0x29: {  	s4 =	sld [smem:$0x3FB2]  }
0x2a: {  	p0 =	seq.s32 s5, $0x0;
	s5 =	sld [smem:$0x3FB3]  }
0x2b: {  	s6 =	sld [smem:$0x3FB4]  }
0x2c: {  	s7 =	sld [smem:$0x3FB5]  }
0x2d: {  	s3 =	simm.s32 $0x108;
	s8 =	sld [smem:$0x3FB6]  }
0x2e: {  	s3 =	simm.s32 @!p0 $0x1082;
	s9 =	sld [smem:$0x3FB7]  }
0x2f: {  	lr =	sadd.s32 s0, s3;
	s0 =	sld [smem:$0x3FAE]  }
0x30: {  	s3 =	sld [smem:$0x3FB1]  }
0x31: {  	[smem:$0x3FBA] =	sst s10  }
0x32: {  	s10 =	sld [smem:$0x3FB8];
	_ =	sdelay $0x3  }
0x33: {  	p0 =	seq.s32 s10, $0x1;
	s10 =	sld [smem:$0x3FBA];
	_ =	sdelay $0x3  }
0x34: {  	[smem:$0x3FBA] =	sst s10  }
0x35: {  	s10 =	sld [smem:$0x3FB9];
	_ =	sdelay $0x3  }
0x36: {  	p1 =	seq.s32 s10, $0x1;
	s10 =	sld [smem:$0x3FBA];
	_ =	sdelay $0x3  }
0x37: {  	[smem:$0x3FBA] =	sst s10  }
0x38: {  	s10 =	sld [smem:$0x3FBB]  }
0x39: {  	_ = 	snop;
	(pc) =	sbr.ind lr, $3  }
0x3a: {  	_ = 	snop  }
0x3b: {  	_ = 	snop  }
0x3c: {  	p2 =	seq.s32 s10, $0x1;
	s10 =	sld [smem:$0x3FBA]  }
0x3d: {  	_ =	shalt  }
0x3e: {  	_ =	shalt  }
0x3f: {  	_ =	shalt  }
0x40: {  	_ =	shalt  }
0x41: {  	_ =	shalt  }
0x42: {  	_ =	shalt  }
0x43: {  	_ =	shalt  }
0x44: {  	_ =	shalt  }
0x45: {  	_ =	shalt  }
0x46: {  	_ =	shalt  }
0x47: {  	_ =	shalt  }
0x48: {  	_ =	shalt  }
0x49: {  	_ =	shalt  }
0x4a: {  	_ =	shalt  }
0x4b: {  	_ =	shalt  }
0x4c: {  	_ =	shalt  }
0x4d: {  	_ =	shalt  }
0x4e: {  	_ =	shalt  }
0x4f: {  	_ =	shalt  }
0x50: {  	_ =	shalt  }
0x51: {  	_ =	shalt  }
0x52: {  	_ =	shalt  }
0x53: {  	_ =	shalt  }
0x54: {  	_ =	shalt  }
0x55: {  	_ =	shalt  }
0x56: {  	_ =	shalt  }
0x57: {  	_ =	shalt  }
0x58: {  	_ =	shalt  }
0x59: {  	_ =	shalt  }
0x5a: {  	_ =	shalt  }
0x5b: {  	_ =	shalt  }
0x5c: {  	_ =	shalt  }
0x5d: {  	_ =	shalt  }
0x5e: {  	_ =	shalt  }
0x5f: {  	_ =	shalt  }
0x60: {  	_ =	shalt  }
0x61: {  	_ =	shalt  }
0x62: {  	_ =	shalt  }
0x63: {  	_ =	shalt  }
0x64: {  	_ =	shalt  }
0x65: {  	_ =	shalt  }
0x66: {  	_ =	shalt  }
0x67: {  	_ =	shalt  }
0x68: {  	_ =	shalt  }
0x69: {  	_ =	shalt  }
0x6a: {  	_ =	shalt  }
0x6b: {  	_ =	shalt  }
0x6c: {  	_ =	shalt  }
0x6d: {  	_ =	shalt  }
0x6e: {  	_ =	shalt  }
0x6f: {  	_ =	shalt  }
0x70: {  	_ =	shalt  }
0x71: {  	_ =	shalt  }
0x72: {  	_ =	shalt  }
0x73: {  	_ =	shalt  }
0x74: {  	_ =	shalt  }
0x75: {  	_ =	shalt  }
0x76: {  	_ =	shalt  }
0x77: {  	_ =	shalt  }
0x78: {  	_ =	shalt  }
0x79: {  	_ =	shalt  }
0x7a: {  	_ =	shalt  }
0x7b: {  	_ =	shalt  }
0x7c: {  	_ =	shalt  }
0x7d: {  	_ =	shalt  }
0x7e: {  	_ =	shalt  }
0x7f: {  	_ =	shalt  }
0x80: {  	_ =	shalt  }
0x81: {  	_ =	shalt  }
0x82: {  	_ =	shalt  }
0x83: {  	_ =	shalt  }
0x84: {  	_ =	shalt  }
0x85: {  	_ =	shalt  }
0x86: {  	_ =	shalt  }
0x87: {  	_ =	shalt  }
.Lfunc_end0:
.L_simem_size_0:
called_computation_lowered:
.L_overlay_start_0:
0x88: {  	s2 =	sld [smem:$0x3FD9]  }
0x89: {  	s3 =	sld [smem:$0x3FFE];
	_ =	sdelay $0x1  }
0x8a: {  	s1 =	srdreg.scid  }
0x8b: {  	s0 =	sand.u32 $0x1, s1  }
0x8c: {  	s14 =	sshll.u32 s0, $0xA;
	s2 =	sadd.s32 s3, s2  }
0x8d: {  	s2 =	sadd.s32 s2, s14  }
0x8e: {  	[smem:$0x3FC6] =	sst s2  }
0x8f: {  	_ = 	snop  }
0x90: {  	s2 =	sld [smem:$0x3FD0];
	_ =	sdelay $0x2  }
0x91: {  	s4 =	simm.s32 $0xA;
	s5 =	simm.s32 $0x10;
	s15 =	sld [smem:$0x3FC9]  }
0x92: {  	[smem:s5], [sflag:s4] =	dma.local [hbm:s2], $0x1  }
0x93: {  	_ =	swait.eq [sflag:s4], $0x1  }
0x94: {  	[sflag:s4] =	ssyncset.done $0x0  }
0x95: {  	s16 =	sld [smem:$0x10];
	[sflag:s4] =	ssyncadd.s32 $0xFFFFFFFF  }
0x96: {  	s17 =	sld [smem:$0x11];
	(tm) =	ssettm $0x1  }
0x97: {  	s18 =	sld [smem:$0x3FFB];
	_ =	sdelay $0x3  }
0x98: {  	_ =	strace s18  }
0x99: {  	s5 =	sld [smem:$0x3FFC];
	_ =	sdelay $0x3  }
0x9a: {  	_ =	strace s5  }
0x9b: {  	s5 =	sld [smem:$0x3FFD];
	_ =	sdelay $0x3  }
0x9c: {  	_ =	strace s5  }
0x9d: {  	_ =	strace $0x8FFFFFFF  }
0x9e: {  	s19 =	sld [smem:$0x3FDB];
	_ =	sdelay $0x1  }
0x9f: {  	s6 =	simm.s32 $_scs_section_size  }
0xa0: {  	s7 =	simm.s32 $_size__tile_overlayer_lowered;
	s8 =	simm.s32 $_tile_overlayer_lowered  }
0xa1: {  	s22 =	simm.s32 $0x1BFF;
	s21 =	sshll.u32 s8, $0x1;
	s5 =	sadd.s32 s6, s19  }
0xa2: {  	s9 =	simm.s32 $0x0;
	s20 =	sshll.u32 s7, $0x1;
	s7 =	sadd.s32 s21, s5  }
0xa3: {  	[timem:s9], [sflag:s22] =	dma.local [hbm:s7], s20  }
0xa4: {  	_ =	swait.ge [sflag:s22], s20  }
0xa5: {  	s6 =	ssub.s32 $0x0, s20;
	[sflag:s22] =	ssyncset.done $0x0  }
0xa6: {  	[sflag:s22] =	ssyncadd.s32 s6;
	_ =	sdelay $0x1  }
0xa7: {  	s23 =	simm.s32 $0x1B8B  }
0xa8: {  	_ =	swait.ge [sflag:s23], $0x1  }
0xa9: {  	[sflag:s23] =	ssyncset.done $0x0  }
0xaa: {  	s25 =	simm.s32 $0x1B8E;
	s24 =	sld [smem:$0x3FFE];
	[sflag:s23] =	ssyncadd.s32 $0xFFFFFFFF  }
0xab: {  	s26 =	simm.s32 $execute0_lowered;
	[smem:$0x3FD2] =	sst s25  }
0xac: {  	s7 =	sshll.u32 s26, $0x1;
	_ =	strace $0x80000046;
	[dreg:$0x1] =	wrdreg $0xFFFFFFFF  }
0xad: {  	s28 =	simm.s32 $_size_execute0_lowered;
	s5 =	sadd.s32 s5, s7;
	[dreg:$0x0] =	wrdreg $0x0  }
0xae: {  	s7 =	sshll.u32 s28, $0x1;
	[dreg:$0x2] =	wrdreg s5  }
0xaf: {  	[dreg:$0x3] =	wrdreg s7  }
0xb0: {  	[dreg:$0x4] =	wrdreg $0xC0  }
0xb1: {  	_ =	task [dreg:s9], $0x5FFFF  }
0xb2: {  	[dreg:$0x1] =	wrdreg $0xFFFFFFFF  }
0xb3: {  	[dreg:$0x0] =	wrdreg $0x60  }
0xb4: {  	[dreg:$0x2] =	wrdreg s24  }
0xb5: {  	[dreg:$0x3] =	wrdreg s15  }
0xb6: {  	[dreg:$0x4] =	wrdreg s16  }
0xb7: {  	[dreg:$0x5] =	wrdreg s17  }
0xb8: {  	[dreg:$0x6] =	wrdreg $0x9  }
0xb9: {  	_ =	task.clear_ibuf [dreg:s9], $0x7FFFF;
	_ =	strace $0x90000046  }
0xba: {  	s29 =	simm.s32 $0x9;
	_ =	strace $0x80000048  }
0xbb: {  	_ =	swait.ge [sflag:s29], $0x1  }
0xbc: {  	[sflag:s29] =	ssyncadd.s32 $0xFFFFFFFF  }
0xbd: {  	_ =	strace $0x90000048  }
0xbe: {  	_ =	sfence  }
0xbf: {  	s30 =	sld [smem:$0x0];
	_ =	sdelay $0x2  }
0xc0: {  	s31 =	sshll.u32 s1, $0xD;
	s1 =	sshrl.u32 s1, $0x2  }
0xc1: {  	s3 =	sand.u32 $0x4000, s31;
	s1 =	sadd.s32 s1, s30  }
0xc2: {  	s0 =	sor.u32 s3, s0;
	s1 =	sshll.u32 s1, $0x11  }
0xc3: {  	s0 =	sor.u32 s1, s0  }
0xc4: {  	s0 =	sadd.s32 $0x8F2B, s0  }
0xc5: {  	[sflag:s0] =	ssyncadd.remote.s32 $0x1  }
0xc6: {  	_ =	sfence.sel $0xFFFF  }
0xc7: {  	[dreg:$0x0] =	wrdreg $0xFFFFFFFF;
	(pc) =	sbr.abs _section_cstart, $3  }
0xc8: {  	[dreg:$0x1] =	wrdreg $0xFFFFFFFF  }
0xc9: {  	_ =	task.clear_ibuf [dreg:s9], $0x2FFFF;
	_ =	strace $0x9FFFFFFF  }
0xca: {  	(tm) =	ssettm $0x7FFFFFFF  }
0xcb: {  	_ =	shalt  }
tec
execute0_lowered:
.L_overlay_start_1:
0x0: {  	(tag) =	ssettag $0x1  }
0x1: {  	s4 =	rddreg [dreg:$0x0]  }
0x2: {  	s6 =	rddreg [dreg:$0x1]  }
0x3: {  	s9 =	rddreg [dreg:$0x2]  }
0x4: {  	s10 =	rddreg [dreg:$0x3];
	s2 =	srdreg.scid  }
0x5: {  	s0 =	rddreg [dreg:$0x4];
	s1 =	stileid.u32  }
0x6: {  	s15 =	simm.s32 $0x2;
	s16 =	simm.s32 $0x4400;
	s17 =	simm.s32 $0x3  }
0x7: {  	s18 =	simm.s32 $0xC400;
	s19 =	simm.s32 $0x4;
	s20 =	simm.s32 $0x0  }
0x8: {  	s5 =	sand.u32 $0x1, s2;
	s2 =	simm.s32 $0x0;
	s3 =	sshll.u32 s1, $0x2  }
0x9: {  	s7 =	sshll.u32 s5, $0x1;
	[smem:$0x7FF] =	sst s2;
	s5 =	ssub.s32 $0x2, s5  }
0xa: {  	s7 =	sor.u32 s7, s3;
	_ =	strace $0x80000047;
	s3 =	sadd.s32 $0xC00, s4  }
0xb: {  	s4 =	sadd.s32 $0xA00, s4;
	s13 =	sshrl.u32 s5, $0x1;
	s11 =	sor.u32 $0x1, s7  }
0xc: {  	s8 =	sshll.u32 s7, $0xC;
	s7 =	sshll.u32 s7, $0x7;
	s12 =	sshll.u32 s11, $0x7  }
0xd: {  	s13 =	ssub.s32 s5, s13;
	s7 =	sor.u32 s7, s8;
	s12 =	sor.u32 s8, s12  }
0xe: {  	s11 =	sshll.u32 s11, $0xC;
	s7 =	sand.u32 $0x38300, s7;
	s12 =	sand.u32 $0x38380, s12  }
0xf: {  	s14 =	sshrl.u32 s7, $0x3;
	s7 =	sadd.s32 s9, s8;
	s9 =	sadd.s32 s9, s11  }
0x10: {  	s11 =	smax.u32 s13, $0x1;
	s13 =	simm.s32 $0x1;
	s12 =	sshrl.u32 s12, $0x3  }
0x11: {  	v0 =	vlaneseq.u32;
	s5 =	sadd.s32 s6, s14;
	s8 =	sadd.s32 s10, s14;
	s14 =	simm.s32 $0x1000  }
0x12: {  	v0 =	vmul.u32 $0x9, v0;
	s6 =	sadd.s32 s6, s12;
	s10 =	sadd.s32 s10, s12;
	s12 =	simm.s32 $0x2200  }
.LBB2_1:
0x13: {  	[tilespmem:s2], [sflag:$0x1] =	stream.linear.gather [hbm4b:s3+s2], $0x1000, $0x38;
	[tilespmem:$0x16400] =	vst v63  }
0x14: {  	s21 =	simm.s32 $0x2400  }
0x15: {  	s22 =	simm.s32 $0x80;
	s24 =	sadd.s32 $0x0, s5;
	s23 =	simm.s32 $0x2500  }
0x16: {  	[tilespmem:s12], [sflag:$0x1] =	stream.linear.gather [hbm4b:s4+s2], $0x200, $0x38;
	[tilespmem:$0x16400] =	vst v63  }
.LBB2_2:
0x17: {  	[tilespmem:s21], [sflag:$0x2] =	stream.linear.gather [hbm4b:s24+s2], $0x80, $0x38;
	[tilespmem:$0x16400] =	vst v63  }
0x18: {  	s24 =	smov.u32 s22;
	s21 =	smov.u32 s23;
	p0 =	sne.s32 s22, $0xF80  }
.Ltmp0:
0x19: {  	s22 =	sadd.s32 $0x80, s22;
	(pc) =	sbr.rel @p0 .LBB2_2-.Ltmp0, $2  }
0x1a: {  	_ =	sdelay $0x2  }
0x1b: {  	s23 =	sadd.s32 $0x100, s23;
	s24 =	sadd.s32 s24, s5  }
0x1c: {  	[tilespmem:s21], [sflag:$0x2] =	stream.linear.gather [hbm4b:s24+s2], $0x80, $0x38;
	[tilespmem:$0x16400] =	vst v63  }
0x1d: {  	s21 =	simm.s32 $0x2480  }
0x1e: {  	s22 =	simm.s32 $0x80;
	s24 =	sadd.s32 $0x0, s6;
	s23 =	simm.s32 $0x2580  }
.LBB2_4:
0x1f: {  	[tilespmem:s21], [sflag:$0x3] =	stream.linear.gather [hbm4b:s24+s2], $0x80, $0x38;
	[tilespmem:$0x16400] =	vst v63  }
0x20: {  	s24 =	smov.u32 s22;
	s21 =	smov.u32 s23;
	p0 =	sne.s32 s22, $0xF80  }
.Ltmp1:
0x21: {  	s22 =	sadd.s32 $0x80, s22;
	(pc) =	sbr.rel @p0 .LBB2_4-.Ltmp1, $2  }
0x22: {  	_ =	sdelay $0x2  }
0x23: {  	s23 =	sadd.s32 $0x100, s23;
	s24 =	sadd.s32 s24, s6  }
0x24: {  	[tilespmem:s21], [sflag:$0x3] =	stream.linear.gather [hbm4b:s24+s2], $0x80, $0x38;
	[tilespmem:$0x16400] =	vst v63  }
0x25: {  	s30 =	simm.s32 $0x0;
	_ =	swait.ge [sflag:s13], $0x1000  }
0x26: {  	s21 =	sand.u32 $0x18, s30;
	[sflag:s13] =	ssyncset.done $0x0  }
0x27: {  	s21 =	smul.u32 $0x90, s21;
	[sflag:s13] =	ssyncadd.s32 $0xFFFFF000  }
0x28: {  	_ =	swait.ge [sflag:s13], $0x200  }
0x29: {  	s23 =	simm.s32 $0x40;
	s22 =	sadd.s32 $0x0, s21;
	[sflag:s13] =	ssyncset.done $0x0  }
0x2a: {  	s31 =	simm.s32 $0x0;
	s25 =	sadd.s32 $0x3F0, s22;
	[sflag:s13] =	ssyncadd.s32 $0xFFFFFE00  }
0x2b: {  	s21 =	sor.u32 s31, s21;
	v2 =	vadd.s32 s25, v0;
	v1 =	vld [tilespmem:s23+$0x30]  }
0x2c: {  	v3 =	vadd.s32 s21, v0;
	s24 =	sadd.s32 $0x90, s22;
	v4 =	vld [tilespmem:s23+$0xFFFFFFC0]  }
0x2d: {  	s21 =	simm.s32 $0x8;
	v5 =	vadd.s32 s24, v0;
	s25 =	sadd.s32 $0x120, s22;
	v6 =	vld [tilespmem:s23+$0xFFFFFFD0]  }
0x2e: {  	s26 =	sadd.s32 $0x1B0, s22;
	s28 =	sand.u32 $0x18, s21;
	v9 =	vadd.s32 s25, v0;
	v10 =	vld [tilespmem:s23+$0xFFFFFFE0]  }
0x2f: {  	s29 =	sadd.s32 $0x240, s22;
	v12 =	vadd.s32 s26, v0;
	v13 =	vld [tilespmem:s23+$0xFFFFFFF0];
	s24 =	smul.u32 $0x90, s28  }
0x30: {  	v16 =	vadd.s32 s29, v0;
	s26 =	simm.s32 $0x0;
	v17 =	vld [tilespmem:s23+$0x0];
	[tilespmem:v2+s14+$0x0] =	vst.idx.msk $0xffff, v1  }
0x31: {  	s30 =	sadd.s32 $0x2D0, s22;
	s31 =	sor.u32 s26, s24;
	s24 =	sadd.s32 $0x0, s24;
	[tilespmem:v3+s14+$0x0] =	vst.idx.msk $0xffff, v4  }
0x32: {  	s22 =	sadd.s32 $0x360, s22;
	v7 =	vld [tilespmem:s23+$0x10];
	s26 =	sadd.s32 $0x3F0, s24;
	v1 =	vadd.s32 s30, v0;
	[tilespmem:v5+s14+$0x0] =	vst.idx.msk $0xffff, v6  }
0x33: {  	v8 =	vld [tilespmem:s23+$0x20];
	s25 =	sadd.s32 $0x90, s24;
	v11 =	vadd.s32 s26, v0;
	v2 =	vadd.s32 s22, v0;
	[tilespmem:v9+s14+$0x0] =	vst.idx.msk $0xffff, v10;
	s22 =	simm.s32 $0xC0  }
0x34: {  	s29 =	sadd.s32 $0x120, s24;
	s28 =	sadd.s32 $0x240, s24;
	v3 =	vadd.s32 s31, v0;
	v5 =	vadd.s32 s25, v0;
	[tilespmem:v12+s14+$0x0] =	vst.idx.msk $0xffff, v13;
	v10 =	vld [tilespmem:s22+$0x30]  }
0x35: {  	s30 =	sadd.s32 $0x1B0, s24;
	v9 =	vadd.s32 s29, v0;
	v4 =	vadd.s32 s28, v0;
	s31 =	sadd.s32 $0x2D0, s24;
	s24 =	sadd.s32 $0x360, s24;
	[tilespmem:v16+s14+$0x0] =	vst.idx.msk $0xffff, v17;
	v12 =	vld [tilespmem:s22+$0xFFFFFFC0]  }
0x36: {  	v6 =	vadd.s32 s30, v0;
	v13 =	vld [tilespmem:s22+$0xFFFFFFD0];
	v15 =	vadd.s32 s31, v0;
	v14 =	vadd.s32 s24, v0  }
.LBB2_6:
0x37: {  	s21 =	sadd.s32 $0x8, s21;
	v16 =	vld [tilespmem:s22+$0xFFFFFFE0];
	[tilespmem:v1+s14+$0x0] =	vst.idx.msk $0xffff, v7;
	v1 =	vmov v15  }
0x38: {  	s23 =	sand.u32 $0x18, s21;
	p0 =	slt.u32 s21, $0xF8;
	v15 =	vld [tilespmem:s22+$0xFFFFFFF0];
	[tilespmem:v2+s14+$0x0] =	vst.idx.msk $0xffff, v8;
	v2 =	vmov v14  }
0x39: {  	s23 =	smul.u32 $0x90, s23;
	v17 =	vld [tilespmem:s22+$0x0];
	[tilespmem:v11+s14+$0x0] =	vst.idx.msk $0xffff, v10  }
0x3a: {  	s24 =	sshrl.u32 s21, $0x5;
	[tilespmem:v3+s14+$0x0] =	vst.idx.msk $0xffff, v12;
	v7 =	vld [tilespmem:s22+$0x10]  }
.Ltmp2:
0x3b: {  	s25 =	sor.u32 s24, s23;
	s23 =	sadd.s32 s24, s23;
	[tilespmem:v5+s14+$0x0] =	vst.idx.msk $0xffff, v13;
	v8 =	vld [tilespmem:s22+$0x20];
	(pc) =	sbr.rel @p0 .LBB2_6-.Ltmp2, $4  }
0x3c: {  	s22 =	sadd.s32 $0x80, s22;
	v3 =	vadd.s32 s25, v0;
	s24 =	sadd.s32 $0x90, s23;
	s25 =	sadd.s32 $0x3F0, s23;
	[tilespmem:v9+s14+$0x0] =	vst.idx.msk $0xffff, v16  }
0x3d: {  	s26 =	sadd.s32 $0x1B0, s23;
	s28 =	sadd.s32 $0x240, s23;
	v5 =	vadd.s32 s24, v0;
	s24 =	sadd.s32 $0x120, s23;
	v10 =	vld [tilespmem:s22+$0x30];
	v11 =	vadd.s32 s25, v0;
	[tilespmem:v6+s14+$0x0] =	vst.idx.msk $0xffff, v15  }
0x3e: {  	v6 =	vadd.s32 s26, v0;
	v16 =	vadd.s32 s28, v0;
	v12 =	vld [tilespmem:s22+$0xFFFFFFC0];
	v9 =	vadd.s32 s24, v0;
	s24 =	sadd.s32 $0x2D0, s23;
	s23 =	sadd.s32 $0x360, s23  }
0x3f: {  	v13 =	vld [tilespmem:s22+$0xFFFFFFD0];
	v15 =	vadd.s32 s24, v0;
	v14 =	vadd.s32 s23, v0;
	[tilespmem:v4+s14+$0x0] =	vst.idx.msk $0xffff, v17;
	v4 =	vmov v16  }
0x40: {  	_ =	sdelay $0x3  }
0x41: {  	v16 =	vld [tilespmem:s22+$0xFFFFFFE0];
	[tilespmem:v1+s14+$0x0] =	vst.idx.msk $0xffff, v7  }
0x42: {  	v1 =	vld [tilespmem:s22+$0xFFFFFFF0];
	[tilespmem:v2+s14+$0x0] =	vst.idx.msk $0xffff, v8  }
0x43: {  	v2 =	vld [tilespmem:s22+$0x0];
	[tilespmem:v11+s14+$0x0] =	vst.idx.msk $0xffff, v10  }
0x44: {  	[tilespmem:v3+s14+$0x0] =	vst.idx.msk $0xffff, v12;
	v3 =	vld [tilespmem:s22+$0x10]  }
0x45: {  	[tilespmem:v5+s14+$0x0] =	vst.idx.msk $0xffff, v13;
	v5 =	vld [tilespmem:s22+$0x20]  }
0x46: {  	[tilespmem:v9+s14+$0x0] =	vst.idx.msk $0xffff, v16  }
0x47: {  	[tilespmem:v6+s14+$0x0] =	vst.idx.msk $0xffff, v1  }
0x48: {  	[tilespmem:v4+s14+$0x0] =	vst.idx.msk $0xffff, v2  }
0x49: {  	[tilespmem:v15+s14+$0x0] =	vst.idx.msk $0xffff, v3  }
0x4a: {  	[tilespmem:v14+s14+$0x0] =	vst.idx.msk $0xffff, v5  }
0x4b: {  	_ =	swait.ge [sflag:s15], $0x1000  }
0x4c: {  	[sflag:s15] =	ssyncset.done $0x0  }
0x4d: {  	s21 =	simm.s32 $0x2440;
	[sflag:s15] =	ssyncadd.s32 $0xFFFFF000  }
0x4e: {  	v1 =	vld [tilespmem:s21+$0x30]  }
0x4f: {  	v2 =	vld [tilespmem:s21+$0xFFFFFFD0]  }
0x50: {  	v3 =	vld [tilespmem:s21+$0xFFFFFFE0]  }
0x51: {  	v4 =	vld [tilespmem:s21+$0xFFFFFFF0]  }
0x52: {  	v6 =	vld [tilespmem:s21+$0x0]  }
0x53: {  	v7 =	vld [tilespmem:s21+$0x10]  }
0x54: {  	v28 =	vld [tilespmem:s21+$0x20]  }
0x55: {  	v29 =	vld [tilespmem:s21+$0xFFFFFFC0]  }
0x56: {  	v30 =	vld.idx.msk [tilespmem:v1+s12+$0x0], $0xffff  }
0x57: {  	v31 =	vld.idx.msk [tilespmem:v2+s12+$0x0], $0xffff  }
0x58: {  	v8 =	vmul.u32 $0x9, v1;
	v32 =	vld.idx.msk [tilespmem:v3+s12+$0x0], $0xffff  }
0x59: {  	v5 =	vmul.u32 $0x9, v2;
	v33 =	vld.idx.msk [tilespmem:v4+s12+$0x0], $0xffff  }
0x5a: {  	v3 =	vmul.u32 $0x9, v3;
	v34 =	vld.idx.msk [tilespmem:v6+s12+$0x0], $0xffff  }
0x5b: {  	s21 =	simm.s32 $0x14440;
	v4 =	vmul.u32 $0x9, v4;
	v35 =	vld.idx.msk [tilespmem:v7+s12+$0x0], $0xffff  }
0x5c: {  	v1 =	vmul.u32 $0x9, v6;
	v17 =	vld.idx.msk [tilespmem:v28+s12+$0x0], $0xffff;
	[tilespmem:s21+$0x30] =	vst v30  }
0x5d: {  	v2 =	vmul.u32 $0x9, v7;
	v36 =	vld.idx.msk [tilespmem:v29+s12+$0x0], $0xffff;
	[tilespmem:s21+$0xFFFFFFD0] =	vst v31  }
0x5e: {  	v7 =	vmul.u32 $0x9, v29;
	[tilespmem:s21+$0xFFFFFFE0] =	vst v32;
	v11 =	vld.idx.msk [tilespmem:v8+s14+$0x0], $0xffff  }
0x5f: {  	v6 =	vmul.u32 $0x9, v28;
	[tilespmem:s21+$0xFFFFFFF0] =	vst v33;
	v37 =	vld.idx.msk [tilespmem:v5+s14+$0x0], $0xffff  }
0x60: {  	[tilespmem:s21+$0x0] =	vst v34;
	v39 =	vld.idx.msk [tilespmem:v3+s14+$0x0], $0xffff  }
0x61: {  	v38 =	vadd.s32 $0x1, v8;
	[tilespmem:s21+$0x10] =	vst v35;
	v14 =	vld.idx.msk [tilespmem:v4+s14+$0x0], $0xffff  }
0x62: {  	v40 =	vadd.s32 $0x1, v5;
	[tilespmem:s21+$0x20] =	vst v17;
	v41 =	vld.idx.msk [tilespmem:v1+s14+$0x0], $0xffff  }
0x63: {  	s22 =	simm.s32 $0x4600;
	v42 =	vadd.s32 $0x1, v3;
	[tilespmem:s21+$0xFFFFFFC0] =	vst v36;
	v18 =	vld.idx.msk [tilespmem:v2+s14+$0x0], $0xffff  }
0x64: {  	v43 =	vadd.s32 $0x1, v4;
	v19 =	vld.idx.msk [tilespmem:v7+s14+$0x0], $0xffff;
	[tilespmem:s22+$0xFFFFFE70] =	vst v11  }
0x65: {  	v45 =	vadd.s32 $0x1, v1;
	v46 =	vld.idx.msk [tilespmem:v6+s14+$0x0], $0xffff;
	[tilespmem:s22+$0xFFFFFE10] =	vst v37  }
0x66: {  	v20 =	vadd.s32 $0x1, v7;
	[tilespmem:s22+$0xFFFFFE20] =	vst v39;
	v44 =	vld.idx.msk [tilespmem:v38+s14+$0x0], $0xffff  }
0x67: {  	v48 =	vadd.s32 $0x1, v2;
	[tilespmem:s22+$0xFFFFFE30] =	vst v14;
	v15 =	vld.idx.msk [tilespmem:v40+s14+$0x0], $0xffff  }
0x68: {  	v49 =	vadd.s32 $0x1, v6;
	[tilespmem:s22+$0xFFFFFE40] =	vst v41;
	v17 =	vld.idx.msk [tilespmem:v42+s14+$0x0], $0xffff  }
0x69: {  	v47 =	vadd.s32 $0x2, v8;
	[tilespmem:s22+$0xFFFFFE50] =	vst v18;
	v11 =	vld.idx.msk [tilespmem:v43+s14+$0x0], $0xffff  }
0x6a: {  	v50 =	vadd.s32 $0x2, v5;
	[tilespmem:s22+$0xFFFFFE00] =	vst v19;
	v13 =	vld.idx.msk [tilespmem:v45+s14+$0x0], $0xffff  }
0x6b: {  	v51 =	vadd.s32 $0x2, v3;
	[tilespmem:s22+$0xFFFFFE60] =	vst v46;
	v20 =	vld.idx.msk [tilespmem:v20+s14+$0x0], $0xffff  }
0x6c: {  	v52 =	vadd.s32 $0x2, v4;
	v53 =	vld.idx.msk [tilespmem:v48+s14+$0x0], $0xffff;
	[tilespmem:s22+$0xFFFFFEF0] =	vst v44  }
0x6d: {  	v55 =	vadd.s32 $0x2, v7;
	v16 =	vld.idx.msk [tilespmem:v49+s14+$0x0], $0xffff;
	[tilespmem:s22+$0xFFFFFE90] =	vst v15  }
0x6e: {  	v56 =	vadd.s32 $0x2, v1;
	[tilespmem:s22+$0xFFFFFEA0] =	vst v17;
	v10 =	vld.idx.msk [tilespmem:v47+s14+$0x0], $0xffff  }
0x6f: {  	v57 =	vadd.s32 $0x2, v2;
	[tilespmem:s22+$0xFFFFFEB0] =	vst v11;
	v18 =	vld.idx.msk [tilespmem:v50+s14+$0x0], $0xffff  }
0x70: {  	v58 =	vadd.s32 $0x2, v6;
	[tilespmem:s22+$0xFFFFFEC0] =	vst v13;
	v12 =	vld.idx.msk [tilespmem:v51+s14+$0x0], $0xffff  }
0x71: {  	v54 =	vadd.s32 $0x3, v8;
	[tilespmem:s22+$0xFFFFFE80] =	vst v20;
	v19 =	vld.idx.msk [tilespmem:v52+s14+$0x0], $0xffff  }
0x72: {  	v59 =	vadd.s32 $0x3, v5;
	[tilespmem:s22+$0xFFFFFED0] =	vst v53;
	v15 =	vld.idx.msk [tilespmem:v55+s14+$0x0], $0xffff  }
0x73: {  	v60 =	vadd.s32 $0x3, v3;
	[tilespmem:s22+$0xFFFFFEE0] =	vst v16;
	v61 =	vld.idx.msk [tilespmem:v56+s14+$0x0], $0xffff  }
0x74: {  	v63 =	vadd.s32 $0x3, v7;
	v11 =	vld.idx.msk [tilespmem:v57+s14+$0x0], $0xffff;
	[tilespmem:s22+$0xFFFFFF70] =	vst v10  }
0x75: {  	v24 =	vadd.s32 $0x3, v4;
	v25 =	vld.idx.msk [tilespmem:v58+s14+$0x0], $0xffff;
	[tilespmem:s22+$0xFFFFFF10] =	vst v18  }
0x76: {  	v26 =	vadd.s32 $0x3, v1;
	[tilespmem:s22+$0xFFFFFF20] =	vst v12;
	v14 =	vld.idx.msk [tilespmem:v54+s14+$0x0], $0xffff  }
0x77: {  	v27 =	vadd.s32 $0x3, v2;
	[tilespmem:s22+$0xFFFFFF30] =	vst v19;
	v10 =	vld.idx.msk [tilespmem:v59+s14+$0x0], $0xffff  }
0x78: {  	v28 =	vadd.s32 $0x3, v6;
	[tilespmem:s22+$0xFFFFFF00] =	vst v15;
	v20 =	vld.idx.msk [tilespmem:v60+s14+$0x0], $0xffff  }
0x79: {  	v62 =	vadd.s32 $0x4, v8;
	[tilespmem:s22+$0xFFFFFF40] =	vst v61;
	v17 =	vld.idx.msk [tilespmem:v63+s14+$0x0], $0xffff  }
0x7a: {  	v30 =	vadd.s32 $0x4, v5;
	[tilespmem:s22+$0xFFFFFF50] =	vst v11;
	v31 =	vld.idx.msk [tilespmem:v24+s14+$0x0], $0xffff  }
0x7b: {  	v33 =	vadd.s32 $0x4, v7;
	[tilespmem:s22+$0xFFFFFF60] =	vst v25;
	v13 =	vld.idx.msk [tilespmem:v26+s14+$0x0], $0xffff  }
0x7c: {  	v34 =	vadd.s32 $0x4, v3;
	v35 =	vld.idx.msk [tilespmem:v27+s14+$0x0], $0xffff;
	[tilespmem:s22+$0xFFFFFFF0] =	vst v14  }
0x7d: {  	v36 =	vadd.s32 $0x4, v4;
	[tilespmem:s22+$0xFFFFFF90] =	vst v10;
	v14 =	vld.idx.msk [tilespmem:v28+s14+$0x0], $0xffff  }
0x7e: {  	v37 =	vadd.s32 $0x4, v1;
	[tilespmem:s22+$0xFFFFFFA0] =	vst v20;
	v29 =	vld.idx.msk [tilespmem:v62+s14+$0x0], $0xffff  }
0x7f: {  	v38 =	vadd.s32 $0x4, v2;
	[tilespmem:s22+$0xFFFFFF80] =	vst v17;
	v16 =	vld.idx.msk [tilespmem:v30+s14+$0x0], $0xffff  }
0x80: {  	v32 =	vadd.s32 $0x5, v8;
	[tilespmem:s22+$0xFFFFFFB0] =	vst v31;
	v18 =	vld.idx.msk [tilespmem:v33+s14+$0x0], $0xffff  }
0x81: {  	v39 =	vadd.s32 $0x4, v6;
	[tilespmem:s22+$0xFFFFFFC0] =	vst v13;
	v40 =	vld.idx.msk [tilespmem:v34+s14+$0x0], $0xffff  }
0x82: {  	v42 =	vadd.s32 $0x5, v7;
	[tilespmem:s22+$0xFFFFFFD0] =	vst v35;
	v19 =	vld.idx.msk [tilespmem:v36+s14+$0x0], $0xffff  }
0x83: {  	v43 =	vadd.s32 $0x5, v5;
	v20 =	vld.idx.msk [tilespmem:v37+s14+$0x0], $0xffff;
	[tilespmem:s22+$0xFFFFFFE0] =	vst v14  }
0x84: {  	v44 =	vadd.s32 $0x5, v3;
	v15 =	vld.idx.msk [tilespmem:v38+s14+$0x0], $0xffff;
	[tilespmem:s22+$0x70] =	vst v29  }
0x85: {  	v45 =	vadd.s32 $0x5, v4;
	[tilespmem:s22+$0x10] =	vst v16;
	v11 =	vld.idx.msk [tilespmem:v32+s14+$0x0], $0xffff  }
0x86: {  	v41 =	vadd.s32 $0x6, v8;
	v17 =	vld.idx.msk [tilespmem:v39+s14+$0x0], $0xffff;
	[tilespmem:s22+$0x0] =	vst v18  }
0x87: {  	v47 =	vadd.s32 $0x5, v2;
	[tilespmem:s22+$0x20] =	vst v40;
	v13 =	vld.idx.msk [tilespmem:v42+s14+$0x0], $0xffff  }
0x88: {  	v46 =	vadd.s32 $0x5, v1;
	[tilespmem:s22+$0x30] =	vst v19;
	v48 =	vld.idx.msk [tilespmem:v43+s14+$0x0], $0xffff  }
0x89: {  	v49 =	vadd.s32 $0x5, v6;
	[tilespmem:s22+$0x40] =	vst v20;
	v14 =	vld.idx.msk [tilespmem:v44+s14+$0x0], $0xffff  }
0x8a: {  	v50 =	vadd.s32 $0x6, v7;
	v16 =	vld.idx.msk [tilespmem:v45+s14+$0x0], $0xffff;
	[tilespmem:s22+$0xF0] =	vst v11  }
0x8b: {  	v51 =	vadd.s32 $0x6, v5;
	[tilespmem:s22+$0x50] =	vst v15;
	v12 =	vld.idx.msk [tilespmem:v41+s14+$0x0], $0xffff  }
0x8c: {  	v8 =	vadd.s32 $0x7, v8;
	v18 =	vld.idx.msk [tilespmem:v47+s14+$0x0], $0xffff;
	[tilespmem:s22+$0x60] =	vst v17  }
0x8d: {  	v52 =	vadd.s32 $0x6, v3;
	v11 =	vld.idx.msk [tilespmem:v46+s14+$0x0], $0xffff;
	[tilespmem:s22+$0x80] =	vst v13  }
0x8e: {  	v53 =	vadd.s32 $0x6, v4;
	[tilespmem:s22+$0x90] =	vst v48;
	v55 =	vld.idx.msk [tilespmem:v49+s14+$0x0], $0xffff  }
0x8f: {  	v54 =	vadd.s32 $0x6, v1;
	[tilespmem:s22+$0xA0] =	vst v14;
	v19 =	vld.idx.msk [tilespmem:v50+s14+$0x0], $0xffff  }
0x90: {  	v57 =	vadd.s32 $0x6, v6;
	v15 =	vld.idx.msk [tilespmem:v51+s14+$0x0], $0xffff;
	[tilespmem:s22+$0x170] =	vst v12  }
0x91: {  	v56 =	vadd.s32 $0x6, v2;
	[tilespmem:s22+$0xB0] =	vst v16;
	v8 =	vld.idx.msk [tilespmem:v8+s14+$0x0], $0xffff  }
0x92: {  	v7 =	vadd.s32 $0x7, v7;
	[tilespmem:s22+$0xD0] =	vst v18;
	v58 =	vld.idx.msk [tilespmem:v52+s14+$0x0], $0xffff  }
0x93: {  	v5 =	vadd.s32 $0x7, v5;
	v59 =	vld.idx.msk [tilespmem:v53+s14+$0x0], $0xffff;
	[tilespmem:s22+$0xC0] =	vst v11  }
0x94: {  	v3 =	vadd.s32 $0x7, v3;
	[tilespmem:s22+$0xE0] =	vst v55;
	v60 =	vld.idx.msk [tilespmem:v54+s14+$0x0], $0xffff  }
0x95: {  	v4 =	vadd.s32 $0x7, v4;
	[tilespmem:s22+$0x100] =	vst v19;
	v62 =	vld.idx.msk [tilespmem:v57+s14+$0x0], $0xffff  }
0x96: {  	v61 =	vadd.s32 $0x7, v1;
	[tilespmem:s22+$0x1F0] =	vst v8;
	v8 =	vld.idx.msk [tilespmem:v56+s14+$0x0], $0xffff  }
0x97: {  	v2 =	vadd.s32 $0x7, v2;
	[tilespmem:s22+$0x110] =	vst v15;
	v7 =	vld.idx.msk [tilespmem:v7+s14+$0x0], $0xffff  }
0x98: {  	v63 =	vadd.s32 $0x7, v6;
	[tilespmem:s22+$0x120] =	vst v58;
	v1 =	vld.idx.msk [tilespmem:v5+s14+$0x0], $0xffff  }
0x99: {  	[tilespmem:s22+$0x130] =	vst v59;
	v3 =	vld.idx.msk [tilespmem:v3+s14+$0x0], $0xffff  }
0x9a: {  	v5 =	vld.idx.msk [tilespmem:v4+s14+$0x0], $0xffff;
	[tilespmem:s22+$0x140] =	vst v60  }
0x9b: {  	v6 =	vld.idx.msk [tilespmem:v61+s14+$0x0], $0xffff;
	[tilespmem:s22+$0x150] =	vst v8  }
0x9c: {  	[tilespmem:s22+$0x160] =	vst v62;
	v4 =	vld.idx.msk [tilespmem:v2+s14+$0x0], $0xffff  }
0x9d: {  	s23 =	simm.s32 $0x0;
	s24 =	simm.s32 $0x2540;
	[tilespmem:s22+$0x180] =	vst v7;
	v2 =	vld.idx.msk [tilespmem:v63+s14+$0x0], $0xffff  }
.LBB2_8:
0x9e: {  	v7 =	vld [tilespmem:s24+$0x30];
	s23 =	sadd.s32 $0x80, s23;
	[tilespmem:s22+$0x190] =	vst v1  }
0x9f: {  	v1 =	vld [tilespmem:s24+$0xFFFFFFD0];
	p0 =	slt.u32 s23, $0xF80;
	[tilespmem:s22+$0x1A0] =	vst v3  }
0xa0: {  	v3 =	vld [tilespmem:s24+$0xFFFFFFE0];
	[tilespmem:s22+$0x1B0] =	vst v5  }
0xa1: {  	v5 =	vld [tilespmem:s24+$0xFFFFFFF0];
	[tilespmem:s22+$0x1C0] =	vst v6  }
0xa2: {  	v6 =	vld [tilespmem:s24+$0x0];
	[tilespmem:s22+$0x1D0] =	vst v4  }
0xa3: {  	v4 =	vld [tilespmem:s24+$0x10];
	[tilespmem:s22+$0x1E0] =	vst v2  }
0xa4: {  	v2 =	vmul.u32 $0x9, v1;
	v8 =	vld [tilespmem:s24+$0x20]  }
0xa5: {  	v9 =	vld [tilespmem:s24+$0xFFFFFFC0];
	v31 =	vmul.u32 $0x9, v3  }
0xa6: {  	v32 =	vadd.s32 $0x1, v2;
	v33 =	vadd.s32 $0x2, v2;
	v34 =	vmul.u32 $0x9, v5;
	v10 =	vld.idx.msk [tilespmem:v7+s12+$0x0], $0xffff  }
0xa7: {  	v11 =	vld.idx.msk [tilespmem:v1+s12+$0x0], $0xffff;
	v35 =	vadd.s32 $0x1, v31;
	v36 =	vmul.u32 $0x9, v6;
	v1 =	vmul.u32 $0x9, v7  }
0xa8: {  	v37 =	vadd.s32 $0x2, v31;
	v3 =	vld.idx.msk [tilespmem:v3+s12+$0x0], $0xffff;
	v38 =	vadd.s32 $0x1, v34;
	v39 =	vmul.u32 $0x9, v4  }
0xa9: {  	v40 =	vadd.s32 $0x2, v34;
	v5 =	vld.idx.msk [tilespmem:v5+s12+$0x0], $0xffff;
	v41 =	vadd.s32 $0x1, v36;
	v42 =	vmul.u32 $0x9, v8  }
0xaa: {  	v43 =	vadd.s32 $0x2, v36;
	v7 =	vmul.u32 $0x9, v9;
	v6 =	vld.idx.msk [tilespmem:v6+s12+$0x0], $0xffff;
	v44 =	vadd.s32 $0x1, v39  }
0xab: {  	s21 =	sadd.s32 $0x100, s21;
	v45 =	vadd.s32 $0x2, v39;
	v4 =	vld.idx.msk [tilespmem:v4+s12+$0x0], $0xffff;
	v46 =	vadd.s32 $0x1, v42;
	v47 =	vadd.s32 $0x2, v42  }
0xac: {  	v48 =	vadd.s32 $0x1, v7;
	v49 =	vadd.s32 $0x2, v7;
	v29 =	vadd.s32 $0x3, v7;
	v8 =	vld.idx.msk [tilespmem:v8+s12+$0x0], $0xffff;
	[tilespmem:s21+$0x30] =	vst v10  }
0xad: {  	v50 =	vadd.s32 $0x3, v2;
	v51 =	vadd.s32 $0x3, v31;
	v52 =	vadd.s32 $0x3, v34;
	[tilespmem:s21+$0xFFFFFFD0] =	vst v11;
	v10 =	vld.idx.msk [tilespmem:v1+s14+$0x0], $0xffff  }
0xae: {  	v53 =	vadd.s32 $0x3, v36;
	v54 =	vadd.s32 $0x3, v39;
	v30 =	vadd.s32 $0x3, v42;
	v9 =	vld.idx.msk [tilespmem:v9+s12+$0x0], $0xffff;
	[tilespmem:s21+$0xFFFFFFE0] =	vst v3  }
0xaf: {  	v55 =	vadd.s32 $0x4, v2;
	v23 =	vadd.s32 $0x4, v7;
	v3 =	vld.idx.msk [tilespmem:v2+s14+$0x0], $0xffff;
	[tilespmem:s21+$0xFFFFFFF0] =	vst v5;
	v5 =	vadd.s32 $0x1, v1  }
0xb0: {  	v28 =	vadd.s32 $0x4, v31;
	v26 =	vadd.s32 $0x4, v34;
	v24 =	vadd.s32 $0x4, v36;
	v56 =	vld.idx.msk [tilespmem:v31+s14+$0x0], $0xffff;
	[tilespmem:s21+$0x0] =	vst v6  }
0xb1: {  	v27 =	vadd.s32 $0x4, v39;
	v25 =	vadd.s32 $0x4, v42;
	v19 =	vadd.s32 $0x5, v7;
	v57 =	vld.idx.msk [tilespmem:v34+s14+$0x0], $0xffff;
	[tilespmem:s21+$0x10] =	vst v4  }
0xb2: {  	s22 =	sadd.s32 $0x400, s22;
	v22 =	vadd.s32 $0x5, v2;
	v20 =	vadd.s32 $0x5, v31;
	v17 =	vadd.s32 $0x5, v34;
	v4 =	vld.idx.msk [tilespmem:v36+s14+$0x0], $0xffff;
	[tilespmem:s21+$0x20] =	vst v8  }
0xb3: {  	v21 =	vadd.s32 $0x5, v36;
	v18 =	vadd.s32 $0x5, v39;
	v15 =	vadd.s32 $0x5, v42;
	v58 =	vld.idx.msk [tilespmem:v39+s14+$0x0], $0xffff;
	[tilespmem:s22+$0xFFFFFE70] =	vst v10  }
0xb4: {  	v13 =	vadd.s32 $0x6, v2;
	v16 =	vadd.s32 $0x6, v7;
	v11 =	vadd.s32 $0x6, v31;
	[tilespmem:s21+$0xFFFFFFC0] =	vst v9;
	v59 =	vld.idx.msk [tilespmem:v5+s14+$0x0], $0xffff  }
0xb5: {  	v14 =	vadd.s32 $0x6, v34;
	v12 =	vadd.s32 $0x6, v36;
	v9 =	vadd.s32 $0x6, v39;
	v60 =	vld.idx.msk [tilespmem:v7+s14+$0x0], $0xffff;
	[tilespmem:s22+$0xFFFFFE10] =	vst v3  }
0xb6: {  	v61 =	vadd.s32 $0x2, v1;
	v10 =	vadd.s32 $0x6, v42;
	v3 =	vadd.s32 $0x7, v7;
	[tilespmem:s22+$0xFFFFFE20] =	vst v56;
	v56 =	vld.idx.msk [tilespmem:v42+s14+$0x0], $0xffff  }
0xb7: {  	v6 =	vadd.s32 $0x7, v31;
	v8 =	vadd.s32 $0x7, v2;
	v5 =	vadd.s32 $0x7, v34;
	v32 =	vld.idx.msk [tilespmem:v32+s14+$0x0], $0xffff;
	[tilespmem:s22+$0xFFFFFE30] =	vst v57  }
0xb8: {  	v2 =	vadd.s32 $0x7, v42;
	v7 =	vadd.s32 $0x7, v36;
	v31 =	vld.idx.msk [tilespmem:v35+s14+$0x0], $0xffff;
	[tilespmem:s22+$0xFFFFFE40] =	vst v4;
	v4 =	vadd.s32 $0x7, v39  }
0xb9: {  	v34 =	vld.idx.msk [tilespmem:v38+s14+$0x0], $0xffff;
	[tilespmem:s22+$0xFFFFFE50] =	vst v58  }
0xba: {  	v35 =	vld.idx.msk [tilespmem:v41+s14+$0x0], $0xffff;
	[tilespmem:s22+$0xFFFFFEF0] =	vst v59  }
0xbb: {  	[tilespmem:s22+$0xFFFFFE00] =	vst v60;
	v36 =	vld.idx.msk [tilespmem:v61+s14+$0x0], $0xffff  }
0xbc: {  	v38 =	vld.idx.msk [tilespmem:v48+s14+$0x0], $0xffff;
	[tilespmem:s22+$0xFFFFFE60] =	vst v56  }
0xbd: {  	v39 =	vadd.s32 $0x3, v1;
	[tilespmem:s22+$0xFFFFFE90] =	vst v32;
	v32 =	vld.idx.msk [tilespmem:v44+s14+$0x0], $0xffff  }
0xbe: {  	[tilespmem:s22+$0xFFFFFEA0] =	vst v31;
	v31 =	vld.idx.msk [tilespmem:v46+s14+$0x0], $0xffff  }
0xbf: {  	v33 =	vld.idx.msk [tilespmem:v33+s14+$0x0], $0xffff;
	[tilespmem:s22+$0xFFFFFEB0] =	vst v34  }
0xc0: {  	v34 =	vld.idx.msk [tilespmem:v37+s14+$0x0], $0xffff;
	[tilespmem:s22+$0xFFFFFEC0] =	vst v35  }
0xc1: {  	v35 =	vld.idx.msk [tilespmem:v40+s14+$0x0], $0xffff;
	[tilespmem:s22+$0xFFFFFF70] =	vst v36  }
0xc2: {  	[tilespmem:s22+$0xFFFFFE80] =	vst v38;
	v36 =	vld.idx.msk [tilespmem:v39+s14+$0x0], $0xffff  }
0xc3: {  	v37 =	vld.idx.msk [tilespmem:v49+s14+$0x0], $0xffff;
	[tilespmem:s22+$0xFFFFFED0] =	vst v32  }
0xc4: {  	v32 =	vld.idx.msk [tilespmem:v43+s14+$0x0], $0xffff;
	[tilespmem:s22+$0xFFFFFEE0] =	vst v31;
	v31 =	vadd.s32 $0x4, v1  }
0xc5: {  	[tilespmem:s22+$0xFFFFFF10] =	vst v33;
	v33 =	vld.idx.msk [tilespmem:v45+s14+$0x0], $0xffff  }
0xc6: {  	[tilespmem:s22+$0xFFFFFF20] =	vst v34;
	v34 =	vld.idx.msk [tilespmem:v47+s14+$0x0], $0xffff  }
0xc7: {  	v38 =	vld.idx.msk [tilespmem:v50+s14+$0x0], $0xffff;
	[tilespmem:s22+$0xFFFFFF30] =	vst v35  }
0xc8: {  	v35 =	vld.idx.msk [tilespmem:v51+s14+$0x0], $0xffff;
	[tilespmem:s22+$0xFFFFFFF0] =	vst v36  }
0xc9: {  	[tilespmem:s22+$0xFFFFFF00] =	vst v37;
	v31 =	vld.idx.msk [tilespmem:v31+s14+$0x0], $0xffff  }
0xca: {  	v29 =	vld.idx.msk [tilespmem:v29+s14+$0x0], $0xffff;
	[tilespmem:s22+$0xFFFFFF40] =	vst v32  }
0xcb: {  	v32 =	vld.idx.msk [tilespmem:v52+s14+$0x0], $0xffff;
	[tilespmem:s22+$0xFFFFFF50] =	vst v33;
	v33 =	vadd.s32 $0x5, v1  }
0xcc: {  	v36 =	vld.idx.msk [tilespmem:v53+s14+$0x0], $0xffff;
	[tilespmem:s22+$0xFFFFFF60] =	vst v34  }
0xcd: {  	[tilespmem:s22+$0xFFFFFF90] =	vst v38;
	v34 =	vld.idx.msk [tilespmem:v54+s14+$0x0], $0xffff  }
0xce: {  	[tilespmem:s22+$0xFFFFFFA0] =	vst v35;
	v30 =	vld.idx.msk [tilespmem:v30+s14+$0x0], $0xffff  }
0xcf: {  	v35 =	vld.idx.msk [tilespmem:v55+s14+$0x0], $0xffff;
	[tilespmem:s22+$0x70] =	vst v31  }
0xd0: {  	[tilespmem:s22+$0xFFFFFF80] =	vst v29;
	v29 =	vld.idx.msk [tilespmem:v33+s14+$0x0], $0xffff  }
0xd1: {  	v23 =	vld.idx.msk [tilespmem:v23+s14+$0x0], $0xffff;
	[tilespmem:s22+$0xFFFFFFB0] =	vst v32  }
0xd2: {  	v31 =	vadd.s32 $0x6, v1;
	v28 =	vld.idx.msk [tilespmem:v28+s14+$0x0], $0xffff;
	[tilespmem:s22+$0xFFFFFFC0] =	vst v36  }
0xd3: {  	v26 =	vld.idx.msk [tilespmem:v26+s14+$0x0], $0xffff;
	[tilespmem:s22+$0xFFFFFFD0] =	vst v34  }
0xd4: {  	v24 =	vld.idx.msk [tilespmem:v24+s14+$0x0], $0xffff;
	[tilespmem:s22+$0xFFFFFFE0] =	vst v30  }
0xd5: {  	[tilespmem:s22+$0x10] =	vst v35;
	v27 =	vld.idx.msk [tilespmem:v27+s14+$0x0], $0xffff  }
0xd6: {  	v25 =	vld.idx.msk [tilespmem:v25+s14+$0x0], $0xffff;
	[tilespmem:s22+$0xF0] =	vst v29  }
0xd7: {  	[tilespmem:s22+$0x0] =	vst v23;
	v23 =	vld.idx.msk [tilespmem:v31+s14+$0x0], $0xffff  }
0xd8: {  	v19 =	vld.idx.msk [tilespmem:v19+s14+$0x0], $0xffff;
	[tilespmem:s22+$0x20] =	vst v28  }
0xd9: {  	v1 =	vadd.s32 $0x7, v1;
	v22 =	vld.idx.msk [tilespmem:v22+s14+$0x0], $0xffff;
	[tilespmem:s22+$0x30] =	vst v26  }
0xda: {  	v20 =	vld.idx.msk [tilespmem:v20+s14+$0x0], $0xffff;
	[tilespmem:s22+$0x40] =	vst v24  }
0xdb: {  	v17 =	vld.idx.msk [tilespmem:v17+s14+$0x0], $0xffff;
	[tilespmem:s22+$0x50] =	vst v27  }
0xdc: {  	v21 =	vld.idx.msk [tilespmem:v21+s14+$0x0], $0xffff;
	[tilespmem:s22+$0x60] =	vst v25  }
0xdd: {  	v18 =	vld.idx.msk [tilespmem:v18+s14+$0x0], $0xffff;
	[tilespmem:s22+$0x170] =	vst v23  }
0xde: {  	[tilespmem:s22+$0x80] =	vst v19;
	v1 =	vld.idx.msk [tilespmem:v1+s14+$0x0], $0xffff  }
0xdf: {  	[tilespmem:s22+$0x90] =	vst v22;
	v15 =	vld.idx.msk [tilespmem:v15+s14+$0x0], $0xffff  }
0xe0: {  	v16 =	vld.idx.msk [tilespmem:v16+s14+$0x0], $0xffff;
	[tilespmem:s22+$0xA0] =	vst v20  }
0xe1: {  	v13 =	vld.idx.msk [tilespmem:v13+s14+$0x0], $0xffff;
	[tilespmem:s22+$0xB0] =	vst v17  }
0xe2: {  	v11 =	vld.idx.msk [tilespmem:v11+s14+$0x0], $0xffff;
	[tilespmem:s22+$0xC0] =	vst v21  }
0xe3: {  	v14 =	vld.idx.msk [tilespmem:v14+s14+$0x0], $0xffff;
	[tilespmem:s22+$0xD0] =	vst v18  }
0xe4: {  	v12 =	vld.idx.msk [tilespmem:v12+s14+$0x0], $0xffff;
	[tilespmem:s22+$0x1F0] =	vst v1  }
0xe5: {  	v9 =	vld.idx.msk [tilespmem:v9+s14+$0x0], $0xffff;
	[tilespmem:s22+$0xE0] =	vst v15  }
0xe6: {  	[tilespmem:s22+$0x100] =	vst v16;
	v10 =	vld.idx.msk [tilespmem:v10+s14+$0x0], $0xffff  }
0xe7: {  	v15 =	vld.idx.msk [tilespmem:v3+s14+$0x0], $0xffff;
	[tilespmem:s22+$0x110] =	vst v13  }
0xe8: {  	v1 =	vld.idx.msk [tilespmem:v8+s14+$0x0], $0xffff;
	[tilespmem:s22+$0x120] =	vst v11  }
.Ltmp3:
0xe9: {  	v3 =	vld.idx.msk [tilespmem:v6+s14+$0x0], $0xffff;
	[tilespmem:s22+$0x130] =	vst v14;
	(pc) =	sbr.rel @p0 .LBB2_8-.Ltmp3, $4  }
0xea: {  	v5 =	vld.idx.msk [tilespmem:v5+s14+$0x0], $0xffff;
	[tilespmem:s22+$0x140] =	vst v12  }
0xeb: {  	v6 =	vld.idx.msk [tilespmem:v7+s14+$0x0], $0xffff;
	[tilespmem:s22+$0x150] =	vst v9  }
0xec: {  	v4 =	vld.idx.msk [tilespmem:v4+s14+$0x0], $0xffff;
	[tilespmem:s22+$0x160] =	vst v10  }
0xed: {  	s24 =	sadd.s32 $0x100, s24;
	[tilespmem:s22+$0x180] =	vst v15;
	v2 =	vld.idx.msk [tilespmem:v2+s14+$0x0], $0xffff  }
0xee: {  	[tilespmem:s22+$0x190] =	vst v1  }
0xef: {  	[tilespmem:s22+$0x1A0] =	vst v3  }
0xf0: {  	[tilespmem:s22+$0x1B0] =	vst v5  }
0xf1: {  	[tilespmem:s22+$0x1C0] =	vst v6  }
0xf2: {  	[tilespmem:s22+$0x1D0] =	vst v4  }
0xf3: {  	s21 =	simm.s32 $0x0;
	s24 =	sadd.s32 $0x0, s8;
	[tilespmem:s22+$0x1E0] =	vst v2  }
0xf4: {  	[hbm4b:s7+s21] =	stream.linear.scatter [tilespmem:s16], [sflag:$0x4], $0x8000, $0x38;
	[tilespmem:$0x16400] =	vst v63  }
0xf5: {  	s23 =	simm.s32 $0x14500;
	s22 =	simm.s32 $0x80;
	s21 =	simm.s32 $0x14400  }
.LBB2_10:
0xf6: {  	[hbm4b:s24+s2] =	stream.linear.scatter [tilespmem:s21], [sflag:$0x4], $0x80, $0x38;
	[tilespmem:$0x16400] =	vst v63  }
0xf7: {  	s24 =	smov.u32 s22;
	s21 =	smov.u32 s23;
	p0 =	sne.s32 s22, $0xF80  }
.Ltmp4:
0xf8: {  	s22 =	sadd.s32 $0x80, s22;
	(pc) =	sbr.rel @p0 .LBB2_10-.Ltmp4, $2  }
0xf9: {  	_ =	sdelay $0x2  }
0xfa: {  	s23 =	sadd.s32 $0x100, s23;
	s24 =	sadd.s32 s24, s8  }
0xfb: {  	[hbm4b:s24+s2] =	stream.linear.scatter [tilespmem:s21], [sflag:$0x4], $0x80, $0x38;
	[tilespmem:$0x16400] =	vst v63  }
0xfc: {  	_ =	swait.ge [sflag:s17], $0x1000  }
0xfd: {  	[sflag:s17] =	ssyncset.done $0x0  }
0xfe: {  	s31 =	simm.s32 $0x24F0;
	[sflag:s17] =	ssyncadd.s32 $0xFFFFF000  }
0xff: {  	v1 =	vld [tilespmem:s31+$0x0]  }
0x100: {  	v2 =	vld [tilespmem:s31+$0xFFFFFFA0]  }
0x101: {  	v3 =	vld [tilespmem:s31+$0xFFFFFFB0]  }
0x102: {  	v4 =	vld [tilespmem:s31+$0xFFFFFFC0]  }
0x103: {  	v6 =	vld [tilespmem:s31+$0xFFFFFFD0]  }
0x104: {  	v7 =	vld [tilespmem:s31+$0xFFFFFFE0]  }
0x105: {  	v9 =	vld [tilespmem:s31+$0xFFFFFFF0]  }
0x106: {  	v10 =	vld [tilespmem:s31+$0xFFFFFF90]  }
0x107: {  	v11 =	vld.idx.msk [tilespmem:v1+s12+$0x0], $0xffff  }
0x108: {  	v12 =	vld.idx.msk [tilespmem:v2+s12+$0x0], $0xffff  }
0x109: {  	v8 =	vmul.u32 $0x9, v1;
	v13 =	vld.idx.msk [tilespmem:v3+s12+$0x0], $0xffff  }
0x10a: {  	v5 =	vmul.u32 $0x9, v2;
	v14 =	vld.idx.msk [tilespmem:v4+s12+$0x0], $0xffff  }
0x10b: {  	v3 =	vmul.u32 $0x9, v3;
	v15 =	vld.idx.msk [tilespmem:v6+s12+$0x0], $0xffff  }
0x10c: {  	s21 =	simm.s32 $0x144F0;
	v4 =	vmul.u32 $0x9, v4;
	v16 =	vld.idx.msk [tilespmem:v7+s12+$0x0], $0xffff  }
0x10d: {  	v1 =	vmul.u32 $0x9, v6;
	v17 =	vld.idx.msk [tilespmem:v9+s12+$0x0], $0xffff;
	[tilespmem:s21+$0x0] =	vst v11  }
0x10e: {  	v2 =	vmul.u32 $0x9, v7;
	v36 =	vld.idx.msk [tilespmem:v10+s12+$0x0], $0xffff;
	[tilespmem:s21+$0xFFFFFFA0] =	vst v12  }
0x10f: {  	v7 =	vmul.u32 $0x9, v10;
	[tilespmem:s21+$0xFFFFFFB0] =	vst v13;
	v11 =	vld.idx.msk [tilespmem:v8+s14+$0x0], $0xffff  }
0x110: {  	v6 =	vmul.u32 $0x9, v9;
	[tilespmem:s21+$0xFFFFFFC0] =	vst v14;
	v37 =	vld.idx.msk [tilespmem:v5+s14+$0x0], $0xffff  }
0x111: {  	[tilespmem:s21+$0xFFFFFFD0] =	vst v15;
	v39 =	vld.idx.msk [tilespmem:v3+s14+$0x0], $0xffff  }
0x112: {  	v38 =	vadd.s32 $0x1, v8;
	[tilespmem:s21+$0xFFFFFFE0] =	vst v16;
	v14 =	vld.idx.msk [tilespmem:v4+s14+$0x0], $0xffff  }
0x113: {  	v40 =	vadd.s32 $0x1, v5;
	[tilespmem:s21+$0xFFFFFFF0] =	vst v17;
	v41 =	vld.idx.msk [tilespmem:v1+s14+$0x0], $0xffff  }
0x114: {  	s22 =	simm.s32 $0xC400;
	v42 =	vadd.s32 $0x1, v3;
	[tilespmem:s21+$0xFFFFFF90] =	vst v36;
	v18 =	vld.idx.msk [tilespmem:v2+s14+$0x0], $0xffff  }
0x115: {  	v43 =	vadd.s32 $0x1, v4;
	v19 =	vld.idx.msk [tilespmem:v7+s14+$0x0], $0xffff;
	[tilespmem:s22+$0x70] =	vst v11  }
0x116: {  	v45 =	vadd.s32 $0x1, v1;
	v46 =	vld.idx.msk [tilespmem:v6+s14+$0x0], $0xffff;
	[tilespmem:s22+$0x10] =	vst v37  }
0x117: {  	v20 =	vadd.s32 $0x1, v7;
	[tilespmem:s22+$0x20] =	vst v39;
	v44 =	vld.idx.msk [tilespmem:v38+s14+$0x0], $0xffff  }
0x118: {  	v48 =	vadd.s32 $0x1, v2;
	[tilespmem:s22+$0x30] =	vst v14;
	v15 =	vld.idx.msk [tilespmem:v40+s14+$0x0], $0xffff  }
0x119: {  	v49 =	vadd.s32 $0x1, v6;
	[tilespmem:s22+$0x40] =	vst v41;
	v17 =	vld.idx.msk [tilespmem:v42+s14+$0x0], $0xffff  }
0x11a: {  	v47 =	vadd.s32 $0x2, v8;
	[tilespmem:s22+$0x50] =	vst v18;
	v11 =	vld.idx.msk [tilespmem:v43+s14+$0x0], $0xffff  }
0x11b: {  	v50 =	vadd.s32 $0x2, v5;
	[tilespmem:s22+$0x0] =	vst v19;
	v13 =	vld.idx.msk [tilespmem:v45+s14+$0x0], $0xffff  }
0x11c: {  	v51 =	vadd.s32 $0x2, v3;
	[tilespmem:s22+$0x60] =	vst v46;
	v20 =	vld.idx.msk [tilespmem:v20+s14+$0x0], $0xffff  }
0x11d: {  	v52 =	vadd.s32 $0x2, v4;
	v53 =	vld.idx.msk [tilespmem:v48+s14+$0x0], $0xffff;
	[tilespmem:s22+$0xF0] =	vst v44  }
0x11e: {  	v55 =	vadd.s32 $0x2, v7;
	v16 =	vld.idx.msk [tilespmem:v49+s14+$0x0], $0xffff;
	[tilespmem:s22+$0x90] =	vst v15  }
0x11f: {  	v56 =	vadd.s32 $0x2, v1;
	[tilespmem:s22+$0xA0] =	vst v17;
	v10 =	vld.idx.msk [tilespmem:v47+s14+$0x0], $0xffff  }
0x120: {  	v57 =	vadd.s32 $0x2, v2;
	[tilespmem:s22+$0xB0] =	vst v11;
	v18 =	vld.idx.msk [tilespmem:v50+s14+$0x0], $0xffff  }
0x121: {  	v58 =	vadd.s32 $0x2, v6;
	[tilespmem:s22+$0xC0] =	vst v13;
	v12 =	vld.idx.msk [tilespmem:v51+s14+$0x0], $0xffff  }
0x122: {  	v54 =	vadd.s32 $0x3, v8;
	[tilespmem:s22+$0x80] =	vst v20;
	v19 =	vld.idx.msk [tilespmem:v52+s14+$0x0], $0xffff  }
0x123: {  	v59 =	vadd.s32 $0x3, v5;
	[tilespmem:s22+$0xD0] =	vst v53;
	v15 =	vld.idx.msk [tilespmem:v55+s14+$0x0], $0xffff  }
0x124: {  	v60 =	vadd.s32 $0x3, v3;
	[tilespmem:s22+$0xE0] =	vst v16;
	v61 =	vld.idx.msk [tilespmem:v56+s14+$0x0], $0xffff  }
0x125: {  	v63 =	vadd.s32 $0x3, v7;
	v11 =	vld.idx.msk [tilespmem:v57+s14+$0x0], $0xffff;
	[tilespmem:s22+$0x170] =	vst v10  }
0x126: {  	v24 =	vadd.s32 $0x3, v4;
	v25 =	vld.idx.msk [tilespmem:v58+s14+$0x0], $0xffff;
	[tilespmem:s22+$0x110] =	vst v18  }
0x127: {  	v26 =	vadd.s32 $0x3, v1;
	[tilespmem:s22+$0x120] =	vst v12;
	v14 =	vld.idx.msk [tilespmem:v54+s14+$0x0], $0xffff  }
0x128: {  	v27 =	vadd.s32 $0x3, v2;
	[tilespmem:s22+$0x130] =	vst v19;
	v10 =	vld.idx.msk [tilespmem:v59+s14+$0x0], $0xffff  }
0x129: {  	v28 =	vadd.s32 $0x3, v6;
	[tilespmem:s22+$0x100] =	vst v15;
	v20 =	vld.idx.msk [tilespmem:v60+s14+$0x0], $0xffff  }
0x12a: {  	v62 =	vadd.s32 $0x4, v8;
	[tilespmem:s22+$0x140] =	vst v61;
	v17 =	vld.idx.msk [tilespmem:v63+s14+$0x0], $0xffff  }
0x12b: {  	v30 =	vadd.s32 $0x4, v5;
	[tilespmem:s22+$0x150] =	vst v11;
	v31 =	vld.idx.msk [tilespmem:v24+s14+$0x0], $0xffff  }
0x12c: {  	v33 =	vadd.s32 $0x4, v7;
	[tilespmem:s22+$0x160] =	vst v25;
	v13 =	vld.idx.msk [tilespmem:v26+s14+$0x0], $0xffff  }
0x12d: {  	v34 =	vadd.s32 $0x4, v3;
	v35 =	vld.idx.msk [tilespmem:v27+s14+$0x0], $0xffff;
	[tilespmem:s22+$0x1F0] =	vst v14  }
0x12e: {  	v36 =	vadd.s32 $0x4, v4;
	[tilespmem:s22+$0x190] =	vst v10;
	v14 =	vld.idx.msk [tilespmem:v28+s14+$0x0], $0xffff  }
0x12f: {  	v37 =	vadd.s32 $0x4, v1;
	[tilespmem:s22+$0x1A0] =	vst v20;
	v29 =	vld.idx.msk [tilespmem:v62+s14+$0x0], $0xffff  }
0x130: {  	v38 =	vadd.s32 $0x4, v2;
	[tilespmem:s22+$0x180] =	vst v17;
	v16 =	vld.idx.msk [tilespmem:v30+s14+$0x0], $0xffff  }
0x131: {  	v32 =	vadd.s32 $0x5, v8;
	[tilespmem:s22+$0x1B0] =	vst v31;
	v18 =	vld.idx.msk [tilespmem:v33+s14+$0x0], $0xffff  }
0x132: {  	v39 =	vadd.s32 $0x4, v6;
	[tilespmem:s22+$0x1C0] =	vst v13;
	v40 =	vld.idx.msk [tilespmem:v34+s14+$0x0], $0xffff  }
0x133: {  	v42 =	vadd.s32 $0x5, v7;
	[tilespmem:s22+$0x1D0] =	vst v35;
	v19 =	vld.idx.msk [tilespmem:v36+s14+$0x0], $0xffff  }
0x134: {  	v43 =	vadd.s32 $0x5, v5;
	v20 =	vld.idx.msk [tilespmem:v37+s14+$0x0], $0xffff;
	[tilespmem:s22+$0x1E0] =	vst v14  }
0x135: {  	v44 =	vadd.s32 $0x5, v3;
	v15 =	vld.idx.msk [tilespmem:v38+s14+$0x0], $0xffff;
	[tilespmem:s22+$0x270] =	vst v29  }
0x136: {  	v45 =	vadd.s32 $0x5, v4;
	[tilespmem:s22+$0x210] =	vst v16;
	v11 =	vld.idx.msk [tilespmem:v32+s14+$0x0], $0xffff  }
0x137: {  	v41 =	vadd.s32 $0x6, v8;
	v17 =	vld.idx.msk [tilespmem:v39+s14+$0x0], $0xffff;
	[tilespmem:s22+$0x200] =	vst v18  }
0x138: {  	v47 =	vadd.s32 $0x5, v2;
	[tilespmem:s22+$0x220] =	vst v40;
	v13 =	vld.idx.msk [tilespmem:v42+s14+$0x0], $0xffff  }
0x139: {  	v46 =	vadd.s32 $0x5, v1;
	[tilespmem:s22+$0x230] =	vst v19;
	v48 =	vld.idx.msk [tilespmem:v43+s14+$0x0], $0xffff  }
0x13a: {  	v49 =	vadd.s32 $0x5, v6;
	[tilespmem:s22+$0x240] =	vst v20;
	v14 =	vld.idx.msk [tilespmem:v44+s14+$0x0], $0xffff  }
0x13b: {  	v50 =	vadd.s32 $0x6, v7;
	v16 =	vld.idx.msk [tilespmem:v45+s14+$0x0], $0xffff;
	[tilespmem:s22+$0x2F0] =	vst v11  }
0x13c: {  	v51 =	vadd.s32 $0x6, v5;
	[tilespmem:s22+$0x250] =	vst v15;
	v12 =	vld.idx.msk [tilespmem:v41+s14+$0x0], $0xffff  }
0x13d: {  	v8 =	vadd.s32 $0x7, v8;
	v18 =	vld.idx.msk [tilespmem:v47+s14+$0x0], $0xffff;
	[tilespmem:s22+$0x260] =	vst v17  }
0x13e: {  	v52 =	vadd.s32 $0x6, v3;
	v11 =	vld.idx.msk [tilespmem:v46+s14+$0x0], $0xffff;
	[tilespmem:s22+$0x280] =	vst v13  }
0x13f: {  	v53 =	vadd.s32 $0x6, v4;
	[tilespmem:s22+$0x290] =	vst v48;
	v55 =	vld.idx.msk [tilespmem:v49+s14+$0x0], $0xffff  }
0x140: {  	v54 =	vadd.s32 $0x6, v1;
	[tilespmem:s22+$0x2A0] =	vst v14;
	v19 =	vld.idx.msk [tilespmem:v50+s14+$0x0], $0xffff  }
0x141: {  	v57 =	vadd.s32 $0x6, v6;
	v15 =	vld.idx.msk [tilespmem:v51+s14+$0x0], $0xffff;
	[tilespmem:s22+$0x370] =	vst v12  }
0x142: {  	v56 =	vadd.s32 $0x6, v2;
	[tilespmem:s22+$0x2B0] =	vst v16;
	v8 =	vld.idx.msk [tilespmem:v8+s14+$0x0], $0xffff  }
0x143: {  	v7 =	vadd.s32 $0x7, v7;
	[tilespmem:s22+$0x2D0] =	vst v18;
	v58 =	vld.idx.msk [tilespmem:v52+s14+$0x0], $0xffff  }
0x144: {  	v5 =	vadd.s32 $0x7, v5;
	v59 =	vld.idx.msk [tilespmem:v53+s14+$0x0], $0xffff;
	[tilespmem:s22+$0x2C0] =	vst v11  }
0x145: {  	v3 =	vadd.s32 $0x7, v3;
	[tilespmem:s22+$0x2E0] =	vst v55;
	v60 =	vld.idx.msk [tilespmem:v54+s14+$0x0], $0xffff  }
0x146: {  	v4 =	vadd.s32 $0x7, v4;
	[tilespmem:s22+$0x300] =	vst v19;
	v62 =	vld.idx.msk [tilespmem:v57+s14+$0x0], $0xffff  }
0x147: {  	v61 =	vadd.s32 $0x7, v1;
	[tilespmem:s22+$0x3F0] =	vst v8;
	v8 =	vld.idx.msk [tilespmem:v56+s14+$0x0], $0xffff  }
0x148: {  	v2 =	vadd.s32 $0x7, v2;
	[tilespmem:s22+$0x310] =	vst v15;
	v7 =	vld.idx.msk [tilespmem:v7+s14+$0x0], $0xffff  }
0x149: {  	v63 =	vadd.s32 $0x7, v6;
	[tilespmem:s22+$0x320] =	vst v58;
	v1 =	vld.idx.msk [tilespmem:v5+s14+$0x0], $0xffff  }
0x14a: {  	[tilespmem:s22+$0x330] =	vst v59;
	v3 =	vld.idx.msk [tilespmem:v3+s14+$0x0], $0xffff  }
0x14b: {  	v5 =	vld.idx.msk [tilespmem:v4+s14+$0x0], $0xffff;
	[tilespmem:s22+$0x340] =	vst v60  }
0x14c: {  	v6 =	vld.idx.msk [tilespmem:v61+s14+$0x0], $0xffff;
	[tilespmem:s22+$0x350] =	vst v8  }
0x14d: {  	[tilespmem:s22+$0x360] =	vst v62;
	v4 =	vld.idx.msk [tilespmem:v2+s14+$0x0], $0xffff  }
0x14e: {  	s23 =	simm.s32 $0x0;
	s24 =	simm.s32 $0x25F0;
	[tilespmem:s22+$0x380] =	vst v7;
	v2 =	vld.idx.msk [tilespmem:v63+s14+$0x0], $0xffff  }
.LBB2_12:
0x14f: {  	v7 =	vld [tilespmem:s24+$0x0];
	s23 =	sadd.s32 $0x80, s23;
	[tilespmem:s22+$0x390] =	vst v1  }
0x150: {  	v1 =	vld [tilespmem:s24+$0xFFFFFFA0];
	p0 =	slt.u32 s23, $0xF80;
	[tilespmem:s22+$0x3A0] =	vst v3  }
0x151: {  	v3 =	vld [tilespmem:s24+$0xFFFFFFB0];
	[tilespmem:s22+$0x3B0] =	vst v5  }
0x152: {  	v5 =	vld [tilespmem:s24+$0xFFFFFFC0];
	[tilespmem:s22+$0x3C0] =	vst v6  }
0x153: {  	v6 =	vld [tilespmem:s24+$0xFFFFFFD0];
	[tilespmem:s22+$0x3D0] =	vst v4  }
0x154: {  	v4 =	vld [tilespmem:s24+$0xFFFFFFE0];
	[tilespmem:s22+$0x3E0] =	vst v2  }
0x155: {  	v2 =	vmul.u32 $0x9, v1;
	v8 =	vld [tilespmem:s24+$0xFFFFFFF0]  }
0x156: {  	v9 =	vld [tilespmem:s24+$0xFFFFFF90];
	v31 =	vmul.u32 $0x9, v3  }
0x157: {  	v32 =	vadd.s32 $0x1, v2;
	v33 =	vadd.s32 $0x2, v2;
	v34 =	vmul.u32 $0x9, v5;
	v10 =	vld.idx.msk [tilespmem:v7+s12+$0x0], $0xffff  }
0x158: {  	v11 =	vld.idx.msk [tilespmem:v1+s12+$0x0], $0xffff;
	v35 =	vadd.s32 $0x1, v31;
	v36 =	vmul.u32 $0x9, v6;
	v1 =	vmul.u32 $0x9, v7  }
0x159: {  	v37 =	vadd.s32 $0x2, v31;
	v3 =	vld.idx.msk [tilespmem:v3+s12+$0x0], $0xffff;
	v38 =	vadd.s32 $0x1, v34;
	v39 =	vmul.u32 $0x9, v4  }
0x15a: {  	v40 =	vadd.s32 $0x2, v34;
	v5 =	vld.idx.msk [tilespmem:v5+s12+$0x0], $0xffff;
	v41 =	vadd.s32 $0x1, v36;
	v42 =	vmul.u32 $0x9, v8  }
0x15b: {  	v43 =	vadd.s32 $0x2, v36;
	v7 =	vmul.u32 $0x9, v9;
	v6 =	vld.idx.msk [tilespmem:v6+s12+$0x0], $0xffff;
	v44 =	vadd.s32 $0x1, v39  }
0x15c: {  	s21 =	sadd.s32 $0x100, s21;
	v45 =	vadd.s32 $0x2, v39;
	v4 =	vld.idx.msk [tilespmem:v4+s12+$0x0], $0xffff;
	v46 =	vadd.s32 $0x1, v42;
	v47 =	vadd.s32 $0x2, v42  }
0x15d: {  	v48 =	vadd.s32 $0x1, v7;
	v49 =	vadd.s32 $0x2, v7;
	v29 =	vadd.s32 $0x3, v7;
	v8 =	vld.idx.msk [tilespmem:v8+s12+$0x0], $0xffff;
	[tilespmem:s21+$0x0] =	vst v10  }
0x15e: {  	v50 =	vadd.s32 $0x3, v2;
	v51 =	vadd.s32 $0x3, v31;
	v52 =	vadd.s32 $0x3, v34;
	[tilespmem:s21+$0xFFFFFFA0] =	vst v11;
	v10 =	vld.idx.msk [tilespmem:v1+s14+$0x0], $0xffff  }
0x15f: {  	v53 =	vadd.s32 $0x3, v36;
	v54 =	vadd.s32 $0x3, v39;
	v30 =	vadd.s32 $0x3, v42;
	v9 =	vld.idx.msk [tilespmem:v9+s12+$0x0], $0xffff;
	[tilespmem:s21+$0xFFFFFFB0] =	vst v3  }
0x160: {  	v55 =	vadd.s32 $0x4, v2;
	v23 =	vadd.s32 $0x4, v7;
	v3 =	vld.idx.msk [tilespmem:v2+s14+$0x0], $0xffff;
	[tilespmem:s21+$0xFFFFFFC0] =	vst v5;
	v5 =	vadd.s32 $0x1, v1  }
0x161: {  	v28 =	vadd.s32 $0x4, v31;
	v26 =	vadd.s32 $0x4, v34;
	v24 =	vadd.s32 $0x4, v36;
	v56 =	vld.idx.msk [tilespmem:v31+s14+$0x0], $0xffff;
	[tilespmem:s21+$0xFFFFFFD0] =	vst v6  }
0x162: {  	v27 =	vadd.s32 $0x4, v39;
	v25 =	vadd.s32 $0x4, v42;
	v19 =	vadd.s32 $0x5, v7;
	v57 =	vld.idx.msk [tilespmem:v34+s14+$0x0], $0xffff;
	[tilespmem:s21+$0xFFFFFFE0] =	vst v4  }
0x163: {  	s22 =	sadd.s32 $0x400, s22;
	v22 =	vadd.s32 $0x5, v2;
	v20 =	vadd.s32 $0x5, v31;
	v17 =	vadd.s32 $0x5, v34;
	v4 =	vld.idx.msk [tilespmem:v36+s14+$0x0], $0xffff;
	[tilespmem:s21+$0xFFFFFFF0] =	vst v8  }
0x164: {  	v21 =	vadd.s32 $0x5, v36;
	v18 =	vadd.s32 $0x5, v39;
	v15 =	vadd.s32 $0x5, v42;
	v58 =	vld.idx.msk [tilespmem:v39+s14+$0x0], $0xffff;
	[tilespmem:s22+$0x70] =	vst v10  }
0x165: {  	v13 =	vadd.s32 $0x6, v2;
	v16 =	vadd.s32 $0x6, v7;
	v11 =	vadd.s32 $0x6, v31;
	[tilespmem:s21+$0xFFFFFF90] =	vst v9;
	v59 =	vld.idx.msk [tilespmem:v5+s14+$0x0], $0xffff  }
0x166: {  	v14 =	vadd.s32 $0x6, v34;
	v12 =	vadd.s32 $0x6, v36;
	v9 =	vadd.s32 $0x6, v39;
	v60 =	vld.idx.msk [tilespmem:v7+s14+$0x0], $0xffff;
	[tilespmem:s22+$0x10] =	vst v3  }
0x167: {  	v61 =	vadd.s32 $0x2, v1;
	v10 =	vadd.s32 $0x6, v42;
	v3 =	vadd.s32 $0x7, v7;
	[tilespmem:s22+$0x20] =	vst v56;
	v56 =	vld.idx.msk [tilespmem:v42+s14+$0x0], $0xffff  }
0x168: {  	v6 =	vadd.s32 $0x7, v31;
	v8 =	vadd.s32 $0x7, v2;
	v5 =	vadd.s32 $0x7, v34;
	v32 =	vld.idx.msk [tilespmem:v32+s14+$0x0], $0xffff;
	[tilespmem:s22+$0x30] =	vst v57  }
0x169: {  	v2 =	vadd.s32 $0x7, v42;
	v7 =	vadd.s32 $0x7, v36;
	v31 =	vld.idx.msk [tilespmem:v35+s14+$0x0], $0xffff;
	[tilespmem:s22+$0x40] =	vst v4;
	v4 =	vadd.s32 $0x7, v39  }
0x16a: {  	v34 =	vld.idx.msk [tilespmem:v38+s14+$0x0], $0xffff;
	[tilespmem:s22+$0x50] =	vst v58  }
0x16b: {  	v35 =	vld.idx.msk [tilespmem:v41+s14+$0x0], $0xffff;
	[tilespmem:s22+$0xF0] =	vst v59  }
0x16c: {  	[tilespmem:s22+$0x0] =	vst v60;
	v36 =	vld.idx.msk [tilespmem:v61+s14+$0x0], $0xffff  }
0x16d: {  	v38 =	vld.idx.msk [tilespmem:v48+s14+$0x0], $0xffff;
	[tilespmem:s22+$0x60] =	vst v56  }
0x16e: {  	v39 =	vadd.s32 $0x3, v1;
	[tilespmem:s22+$0x90] =	vst v32;
	v32 =	vld.idx.msk [tilespmem:v44+s14+$0x0], $0xffff  }
0x16f: {  	[tilespmem:s22+$0xA0] =	vst v31;
	v31 =	vld.idx.msk [tilespmem:v46+s14+$0x0], $0xffff  }
0x170: {  	v33 =	vld.idx.msk [tilespmem:v33+s14+$0x0], $0xffff;
	[tilespmem:s22+$0xB0] =	vst v34  }
0x171: {  	v34 =	vld.idx.msk [tilespmem:v37+s14+$0x0], $0xffff;
	[tilespmem:s22+$0xC0] =	vst v35  }
0x172: {  	v35 =	vld.idx.msk [tilespmem:v40+s14+$0x0], $0xffff;
	[tilespmem:s22+$0x170] =	vst v36  }
0x173: {  	[tilespmem:s22+$0x80] =	vst v38;
	v36 =	vld.idx.msk [tilespmem:v39+s14+$0x0], $0xffff  }
0x174: {  	v37 =	vld.idx.msk [tilespmem:v49+s14+$0x0], $0xffff;
	[tilespmem:s22+$0xD0] =	vst v32  }
0x175: {  	v32 =	vld.idx.msk [tilespmem:v43+s14+$0x0], $0xffff;
	[tilespmem:s22+$0xE0] =	vst v31;
	v31 =	vadd.s32 $0x4, v1  }
0x176: {  	[tilespmem:s22+$0x110] =	vst v33;
	v33 =	vld.idx.msk [tilespmem:v45+s14+$0x0], $0xffff  }
0x177: {  	[tilespmem:s22+$0x120] =	vst v34;
	v34 =	vld.idx.msk [tilespmem:v47+s14+$0x0], $0xffff  }
0x178: {  	v38 =	vld.idx.msk [tilespmem:v50+s14+$0x0], $0xffff;
	[tilespmem:s22+$0x130] =	vst v35  }
0x179: {  	v35 =	vld.idx.msk [tilespmem:v51+s14+$0x0], $0xffff;
	[tilespmem:s22+$0x1F0] =	vst v36  }
0x17a: {  	[tilespmem:s22+$0x100] =	vst v37;
	v31 =	vld.idx.msk [tilespmem:v31+s14+$0x0], $0xffff  }
0x17b: {  	v29 =	vld.idx.msk [tilespmem:v29+s14+$0x0], $0xffff;
	[tilespmem:s22+$0x140] =	vst v32  }
0x17c: {  	v32 =	vld.idx.msk [tilespmem:v52+s14+$0x0], $0xffff;
	[tilespmem:s22+$0x150] =	vst v33;
	v33 =	vadd.s32 $0x5, v1  }
0x17d: {  	v36 =	vld.idx.msk [tilespmem:v53+s14+$0x0], $0xffff;
	[tilespmem:s22+$0x160] =	vst v34  }
0x17e: {  	[tilespmem:s22+$0x190] =	vst v38;
	v34 =	vld.idx.msk [tilespmem:v54+s14+$0x0], $0xffff  }
0x17f: {  	[tilespmem:s22+$0x1A0] =	vst v35;
	v30 =	vld.idx.msk [tilespmem:v30+s14+$0x0], $0xffff  }
0x180: {  	v35 =	vld.idx.msk [tilespmem:v55+s14+$0x0], $0xffff;
	[tilespmem:s22+$0x270] =	vst v31  }
0x181: {  	[tilespmem:s22+$0x180] =	vst v29;
	v29 =	vld.idx.msk [tilespmem:v33+s14+$0x0], $0xffff  }
0x182: {  	v23 =	vld.idx.msk [tilespmem:v23+s14+$0x0], $0xffff;
	[tilespmem:s22+$0x1B0] =	vst v32  }
0x183: {  	v31 =	vadd.s32 $0x6, v1;
	v28 =	vld.idx.msk [tilespmem:v28+s14+$0x0], $0xffff;
	[tilespmem:s22+$0x1C0] =	vst v36  }
0x184: {  	v26 =	vld.idx.msk [tilespmem:v26+s14+$0x0], $0xffff;
	[tilespmem:s22+$0x1D0] =	vst v34  }
0x185: {  	v24 =	vld.idx.msk [tilespmem:v24+s14+$0x0], $0xffff;
	[tilespmem:s22+$0x1E0] =	vst v30  }
0x186: {  	[tilespmem:s22+$0x210] =	vst v35;
	v27 =	vld.idx.msk [tilespmem:v27+s14+$0x0], $0xffff  }
0x187: {  	v25 =	vld.idx.msk [tilespmem:v25+s14+$0x0], $0xffff;
	[tilespmem:s22+$0x2F0] =	vst v29  }
0x188: {  	[tilespmem:s22+$0x200] =	vst v23;
	v23 =	vld.idx.msk [tilespmem:v31+s14+$0x0], $0xffff  }
0x189: {  	v19 =	vld.idx.msk [tilespmem:v19+s14+$0x0], $0xffff;
	[tilespmem:s22+$0x220] =	vst v28  }
0x18a: {  	v1 =	vadd.s32 $0x7, v1;
	v22 =	vld.idx.msk [tilespmem:v22+s14+$0x0], $0xffff;
	[tilespmem:s22+$0x230] =	vst v26  }
0x18b: {  	v20 =	vld.idx.msk [tilespmem:v20+s14+$0x0], $0xffff;
	[tilespmem:s22+$0x240] =	vst v24  }
0x18c: {  	v17 =	vld.idx.msk [tilespmem:v17+s14+$0x0], $0xffff;
	[tilespmem:s22+$0x250] =	vst v27  }
0x18d: {  	v21 =	vld.idx.msk [tilespmem:v21+s14+$0x0], $0xffff;
	[tilespmem:s22+$0x260] =	vst v25  }
0x18e: {  	v18 =	vld.idx.msk [tilespmem:v18+s14+$0x0], $0xffff;
	[tilespmem:s22+$0x370] =	vst v23  }
0x18f: {  	[tilespmem:s22+$0x280] =	vst v19;
	v1 =	vld.idx.msk [tilespmem:v1+s14+$0x0], $0xffff  }
0x190: {  	[tilespmem:s22+$0x290] =	vst v22;
	v15 =	vld.idx.msk [tilespmem:v15+s14+$0x0], $0xffff  }
0x191: {  	v16 =	vld.idx.msk [tilespmem:v16+s14+$0x0], $0xffff;
	[tilespmem:s22+$0x2A0] =	vst v20  }
0x192: {  	v13 =	vld.idx.msk [tilespmem:v13+s14+$0x0], $0xffff;
	[tilespmem:s22+$0x2B0] =	vst v17  }
0x193: {  	v11 =	vld.idx.msk [tilespmem:v11+s14+$0x0], $0xffff;
	[tilespmem:s22+$0x2C0] =	vst v21  }
0x194: {  	v14 =	vld.idx.msk [tilespmem:v14+s14+$0x0], $0xffff;
	[tilespmem:s22+$0x2D0] =	vst v18  }
0x195: {  	v12 =	vld.idx.msk [tilespmem:v12+s14+$0x0], $0xffff;
	[tilespmem:s22+$0x3F0] =	vst v1  }
0x196: {  	v9 =	vld.idx.msk [tilespmem:v9+s14+$0x0], $0xffff;
	[tilespmem:s22+$0x2E0] =	vst v15  }
0x197: {  	[tilespmem:s22+$0x300] =	vst v16;
	v10 =	vld.idx.msk [tilespmem:v10+s14+$0x0], $0xffff  }
0x198: {  	v15 =	vld.idx.msk [tilespmem:v3+s14+$0x0], $0xffff;
	[tilespmem:s22+$0x310] =	vst v13  }
0x199: {  	v1 =	vld.idx.msk [tilespmem:v8+s14+$0x0], $0xffff;
	[tilespmem:s22+$0x320] =	vst v11  }
.Ltmp5:
0x19a: {  	v3 =	vld.idx.msk [tilespmem:v6+s14+$0x0], $0xffff;
	[tilespmem:s22+$0x330] =	vst v14;
	(pc) =	sbr.rel @p0 .LBB2_12-.Ltmp5, $4  }
0x19b: {  	v5 =	vld.idx.msk [tilespmem:v5+s14+$0x0], $0xffff;
	[tilespmem:s22+$0x340] =	vst v12  }
0x19c: {  	v6 =	vld.idx.msk [tilespmem:v7+s14+$0x0], $0xffff;
	[tilespmem:s22+$0x350] =	vst v9  }
0x19d: {  	v4 =	vld.idx.msk [tilespmem:v4+s14+$0x0], $0xffff;
	[tilespmem:s22+$0x360] =	vst v10  }
0x19e: {  	s24 =	sadd.s32 $0x100, s24;
	[tilespmem:s22+$0x380] =	vst v15;
	v2 =	vld.idx.msk [tilespmem:v2+s14+$0x0], $0xffff  }
0x19f: {  	[tilespmem:s22+$0x390] =	vst v1  }
0x1a0: {  	[tilespmem:s22+$0x3A0] =	vst v3  }
0x1a1: {  	[tilespmem:s22+$0x3B0] =	vst v5  }
0x1a2: {  	[tilespmem:s22+$0x3C0] =	vst v6  }
0x1a3: {  	[tilespmem:s22+$0x3D0] =	vst v4  }
0x1a4: {  	s21 =	simm.s32 $0x0;
	s24 =	sadd.s32 $0x0, s10;
	[tilespmem:s22+$0x3E0] =	vst v2  }
0x1a5: {  	[hbm4b:s9+s21] =	stream.linear.scatter [tilespmem:s18], [sflag:$0x4], $0x8000, $0x38;
	[tilespmem:$0x16400] =	vst v63  }
0x1a6: {  	s23 =	simm.s32 $0x14580;
	s22 =	simm.s32 $0x80;
	s21 =	simm.s32 $0x14480  }
.LBB2_14:
0x1a7: {  	[hbm4b:s24+s2] =	stream.linear.scatter [tilespmem:s21], [sflag:$0x4], $0x80, $0x38;
	[tilespmem:$0x16400] =	vst v63  }
0x1a8: {  	s24 =	smov.u32 s22;
	s21 =	smov.u32 s23;
	p0 =	sne.s32 s22, $0xF80  }
.Ltmp6:
0x1a9: {  	s22 =	sadd.s32 $0x80, s22;
	(pc) =	sbr.rel @p0 .LBB2_14-.Ltmp6, $2  }
0x1aa: {  	_ =	sdelay $0x2  }
0x1ab: {  	s23 =	sadd.s32 $0x100, s23;
	s24 =	sadd.s32 s24, s10  }
0x1ac: {  	[hbm4b:s24+s2] =	stream.linear.scatter [tilespmem:s21], [sflag:$0x4], $0x80, $0x38;
	[tilespmem:$0x16400] =	vst v63  }
0x1ad: {  	_ =	swait.ge [sflag:s19], $0x8000  }
0x1ae: {  	[sflag:s19] =	ssyncset.done $0x0  }
0x1af: {  	[sflag:s19] =	ssyncadd.s32 $0xFFFF8000  }
0x1b0: {  	_ =	swait.ge [sflag:s19], $0x1000  }
0x1b1: {  	[sflag:s19] =	ssyncset.done $0x0  }
0x1b2: {  	s20 =	sadd.s32 $0x1, s20;
	[sflag:s19] =	ssyncadd.s32 $0xFFFFF000  }
0x1b3: {  	p0 =	sne.s32 s20, s11;
	_ =	swait.ge [sflag:s19], $0x8000  }
.Ltmp7:
0x1b4: {  	[sflag:s19] =	ssyncset.done $0x0;
	(pc) =	sbr.rel @p0 .LBB2_1-.Ltmp7, $4  }
0x1b5: {  	[sflag:s19] =	ssyncadd.s32 $0xFFFF8000  }
0x1b6: {  	_ =	swait.ge [sflag:s19], $0x1000  }
0x1b7: {  	[sflag:s19] =	ssyncset.done $0x0  }
0x1b8: {  	[sflag:s19] =	ssyncadd.s32 $0xFFFFF000  }
0x1b9: {  	_ =	sfence.sel $0x180000  }
0x1ba: {  	[bflag:$0x0] =	sbarrier.arrive $0xFFFF  }
0x1bb: {  	p0 =	sne.s32 s1, $0x0;
	_ =	strace $0x90000047  }
0x1bc: {  	s0 =	sadd.s32 @!p0 $0x100000, s0;
	[bflag:$0x2] =	sbarrier.arrive $0xFFFF  }
0x1bd: {  	[sflag:s0] =	ssyncadd.tile.s32 @!p0 $0x1;
	_ =	shalt  }
.Lfunc_end2:
_tile_overlayer_lowered:
.L_overlay_start_2:
0x1be: {  	(tag) =	ssettag $0x2  }
0x1bf: {  	s0 =	rddreg [dreg:$0x0];
	s2 =	stileid.u32  }
0x1c0: {  	s1 =	rddreg [dreg:$0x1];
	p0 =	sne.s32 s2, $0x0  }
0x1c1: {  	s3 =	rddreg [dreg:$0x2];
	[bflag:$0x3] =	sbarrier.arrive $0xFFFF;
	s2 =	simm.s32 @!p0 $0x1C05  }
0x1c2: {  	[timem:s3], [sflag:s2] =	dma.local @!p0 [hbm:s0], s1  }
0x1c3: {  	s0 =	simm.s32 @!p0 $0x5  }
0x1c4: {  	_ =	swait.ge @!p0 [sflag:s0], s1  }
0x1c5: {  	s1 =	ssub.s32 @!p0 $0x0, s1;
	[sflag:s0] =	ssyncset.done @!p0 $0x0  }
0x1c6: {  	[sflag:s0] =	ssyncadd.s32 @!p0 s1  }
0x1c7: {  	[bflag:$0x3] =	sbarrier.arrive $0xFFFF  }
0x1c8: {  	_ =	shalt  }

</sc_bundles>
